<compile_context>
chip_gen: v7x
topology: tpu7x:2x2x1
jax: 0.10.2.dev20260603
libtpu: 0.0.44.dev20260713+nightly
codegen_flags: <defaults>
</compile_context>

<pallas_src>
import math

import jax
import jax.numpy as jnp
from jax import lax
from jax.experimental import pallas as pl
from jax.experimental.pallas import tpu as pltpu
from jax.experimental.pallas import tpu_sc as plsc

_SIGMA = 0.1
_N = 4096
_L = 16
_NC = 2
_NS = 16
_NW = _NC * _NS
_AG = 4

_K = 2048
_KB = _K // _L

_BND = tuple(round(_KB * math.sqrt(w / _NW)) for w in range(_NW + 1))

_BR = 256
_CW = 256
_TC_PROGS = (_N - _K) // _BR


def _bnd_arr():
    return jnp.array(_BND + (0,) * (3 * _L - len(_BND)), jnp.int32)


def _bcast_lane(vec, idxv):
    return lax.gather(
        vec,
        idxv[:, None],
        lax.GatherDimensionNumbers(
            offset_dims=(), collapsed_slice_dims=(0,), start_index_map=(0,)
        ),
        (1,),
        indices_are_sorted=False,
        unique_indices=False,
        mode=lax.GatherScatterMode.PROMISE_IN_BOUNDS,
    )


def _cindex_sc_kernel(t_hbm, e_hbm, f_hbm, bnd_hbm, out_hbm, t_v, e_v, f_v, bnd_v, o_v):
    wid = lax.axis_index("s") * _NC + lax.axis_index("c")
    pltpu.sync_copy(t_hbm, t_v)
    pltpu.sync_copy(e_hbm, e_v)
    pltpu.sync_copy(f_hbm, f_v)
    pltpu.sync_copy(bnd_hbm, bnd_v)

    lo_blk = bnd_v[pl.ds(wid, 1)][0]
    hi_blk = bnd_v[pl.ds(wid + 1, 1)][0]

    def exp_body(i, c):
        sl = pl.ds(i * _L, _L)
        e_v[sl] = jnp.exp(e_v[sl] * (1.0 / _SIGMA))
        return c

    lax.fori_loop(0, hi_blk, exp_body, 0)

    zero = jnp.zeros((_L,), jnp.float32)

    def a_body(bi, carry):
        sl_a = pl.ds(bi * _L, _L)
        ta_blk = t_v[sl_a]
        ea_blk = e_v[sl_a]

        def k_body(kg, carry2):
            splats = []
            for j in range(_AG):
                idxv = jnp.full((_L,), kg * _AG + j, jnp.int32)
                splats.append((_bcast_lane(ta_blk, idxv), _bcast_lane(ea_blk, idxv)))

            def b_body(g, carry3):
                accn3, accd3 = carry3
                for u in range(4):
                    sl = pl.ds((g * 4 + u) * _L, _L)
                    tb = t_v[sl]
                    eb = e_v[sl]
                    fb = f_v[sl]
                    for ta, ea in splats:
                        mf = jnp.where(ta > tb, fb, 0.0)
                        q = ea / (ea + eb)
                        accn3 = accn3 + q * mf
                        accd3 = accd3 + mf
                return accn3, accd3

            return lax.fori_loop(0, (bi + 4) // 4, b_body, carry2)

        return lax.fori_loop(0, _L // _AG, k_body, carry)

    accn, accd = lax.fori_loop(lo_blk, hi_blk, a_body, (zero, zero))
    o_v[pl.ds(0, _L)] = accn
    o_v[pl.ds(_L, _L)] = accd
    pltpu.sync_copy(o_v, out_hbm.at[wid])


def _cindex_tc_kernel(tcol_ref, scol_ref, trow_ref, srow_ref, frow_ref, out_ref):
    i = pl.program_id(0)
    ta = tcol_ref[...]
    ea = jnp.exp(scol_ref[...] * (1.0 / _SIGMA))
    ncols = _K // _CW + i + 1

    def c_body(c, carry):
        accn, accd = carry
        sl = pl.ds(c * _CW, _CW)
        tb = trow_ref[:, sl]
        eb = jnp.exp(srow_ref[:, sl] * (1.0 / _SIGMA))
        fb = frow_ref[:, sl]
        mf = jnp.where(ta > tb, fb, 0.0)
        q = ea / (ea + eb)
        return accn + jnp.sum(q * mf), accd + jnp.sum(mf)

    num, den = lax.fori_loop(0, ncols, c_body, (0.0, 0.0))
    out_ref[...] = jnp.stack([num, den]).reshape(1, 1, 2)


@jax.jit
def kernel(times, scores, events):
    ts, ss, fs = lax.sort(
        (times, scores, events.astype(jnp.float32)), num_keys=1
    )

    mesh = plsc.VectorSubcoreMesh(core_axis_name="c", subcore_axis_name="s")
    sc_partials = pl.kernel(
        _cindex_sc_kernel,
        mesh=mesh,
        out_type=jax.ShapeDtypeStruct((_NW, 2 * _L), jnp.float32),
        scratch_types=[
            pltpu.VMEM((_K,), jnp.float32),
            pltpu.VMEM((_K,), jnp.float32),
            pltpu.VMEM((_K,), jnp.float32),
            pltpu.VMEM((3 * _L,), jnp.int32),
            pltpu.VMEM((2 * _L,), jnp.float32),
        ],
    )(ts[:_K], ss[:_K], fs[:_K], _bnd_arr())

    tcol = ts[_K:].reshape(-1, 1)
    scol = ss[_K:].reshape(-1, 1)
    trow = ts.reshape(1, _N)
    srow = ss.reshape(1, _N)
    frow = fs.reshape(1, _N)

    tc_partials = pl.pallas_call(
        _cindex_tc_kernel,
        grid=(_TC_PROGS,),
        in_specs=[
            pl.BlockSpec((_BR, 1), lambda i: (i, 0)),
            pl.BlockSpec((_BR, 1), lambda i: (i, 0)),
            pl.BlockSpec((1, _N), lambda i: (0, 0)),
            pl.BlockSpec((1, _N), lambda i: (0, 0)),
            pl.BlockSpec((1, _N), lambda i: (0, 0)),
        ],
        out_specs=pl.BlockSpec((1, 1, 2), lambda i: (i, 0, 0)),
        out_shape=jax.ShapeDtypeStruct((_TC_PROGS, 1, 2), jnp.float32),
        compiler_params=pltpu.CompilerParams(
            dimension_semantics=("arbitrary",),
        ),
    )(tcol, scol, trow, srow, frow)

    num = sc_partials[:, :_L].sum() + tc_partials[:, 0, 0].sum()
    den = sc_partials[:, _L:].sum() + tc_partials[:, 0, 1].sum()
    return num / (den + 1.0)

# --- scband reference (transcript-rebuilt; emitter-appended) ---
"""Pipeline reference for scband-concordance-index-loss-86912958202033 (READ-ONLY COPY).

The authoritative reference and input builder live on the scoring server;
editing this copy changes nothing except your own understanding.
"""

import jax, jax.numpy as jnp
import numpy as np

SIGMA = 0.1
N = 4096

def setup_inputs(seed: int = 0) -> dict:
    key = jax.random.key(seed)
    k1, k2, k3 = jax.random.split(key, 3)
    times = jax.random.uniform(k1, (N,), dtype=jnp.float32)
    scores = jax.random.normal(k2, (N,), dtype=jnp.float32)
    events = jax.random.randint(k3, (N,), 0, 2, dtype=jnp.int32)
    return {"times": times, "scores": scores, "events": events}

def _smooth_compare(x1, x2):
    return jax.nn.sigmoid((x1 - x2) / SIGMA)

def reference(times, scores, events):
    n = times.shape[0]
    idx_i, idx_j = jnp.triu_indices(n, k=1)
    times_i = times[idx_i]
    times_j = times[idx_j]
    scores_i = scores[idx_i]
    scores_j = scores[idx_j]
    events_i = events[idx_i]
    events_j = events[idx_j]
    coeff = (times_i > times_j).astype(jnp.int32)
    cond_1 = (events_i == 1) & (events_j == 1) & (times_i != times_j)
    cond_2 = (events_i == 1) & (events_j == 0) & (times_i < times_j)
    cond_3 = (events_i == 0) & (events_j == 1) & (times_i > times_j)
    comparable = (cond_1 | cond_2 | cond_3).astype(jnp.float32)
    concordant = coeff * _smooth_compare(scores_i, scores_j) + (1 - coeff) * _smooth_compare(scores_j, scores_i)
    numerator = (comparable * concordant).sum()
    denominator = comparable.sum()
    c_index = numerator / (denominator + 1)
    return c_index

if __name__ == "__main__":
    import jax
    _d = setup_inputs()
    print(jax.jit(kernel)(*tuple(_d.values())))

</pallas_src>

<mosaic_0001>
#map = affine_map<(d0, d1) -> (0)>
#map1 = affine_map<(d0, d1) -> (0, 0)>
module attributes {stable_mosaic.version = 14 : i64} {
  func.func @_cindex_sc_kernel(%arg0: i32, %arg1: i32, %arg2: memref<2048xf32, #tpu.memory_space<hbm>>, %arg3: memref<2048xf32, #tpu.memory_space<hbm>>, %arg4: memref<2048xf32, #tpu.memory_space<hbm>>, %arg5: memref<48xi32, #tpu.memory_space<hbm>>, %arg6: memref<32x32xf32, #tpu.memory_space<hbm>>, %arg7: memref<2048xf32, #tpu.memory_space<vmem>>, %arg8: memref<2048xf32, #tpu.memory_space<vmem>>, %arg9: memref<2048xf32, #tpu.memory_space<vmem>>, %arg10: memref<48xi32, #tpu.memory_space<vmem>>, %arg11: memref<32xf32, #tpu.memory_space<vmem>>) attributes {dimension_semantics = [#tpu.dimension_semantics<core_parallel>, #tpu.dimension_semantics<subcore_parallel>], iteration_bounds = array<i64: 2, 16>, scalar_prefetch = 0 : i64, scratch_operands = 5 : i64, tpu.core_type = #tpu.core_type<sc_vector_subcore>, window_params = [{transform_indices = #map}, {transform_indices = #map}, {transform_indices = #map}, {transform_indices = #map}, {transform_indices = #map1}]} {
    %mul3A = arith.constant 2 : i32
    %mul3A_0 = arith.muli %arg1, %mul3A : i32
    %add3A = arith.addi %mul3A_0, %arg0 : i32
    "tpu.region"() ({
      %run_scoped3A = tpu.sem_alloc : memref<!tpu.dma_semaphore, #tpu.memory_space<semaphore_mem>>
      tpu.enqueue_dma source(%arg2 : memref<2048xf32, #tpu.memory_space<hbm>>) target(%arg7 : memref<2048xf32, #tpu.memory_space<vmem>>) target_semaphore(%run_scoped3A : memref<!tpu.dma_semaphore, #tpu.memory_space<semaphore_mem>>)
      tpu.wait_dma2 semaphore(%run_scoped3A : memref<!tpu.dma_semaphore, #tpu.memory_space<semaphore_mem>>) src(%arg2 : memref<2048xf32, #tpu.memory_space<hbm>>) dst(%arg7 : memref<2048xf32, #tpu.memory_space<vmem>>)
      tpu.yield
    }) : () -> ()
    "tpu.region"() ({
      %run_scoped3A = tpu.sem_alloc : memref<!tpu.dma_semaphore, #tpu.memory_space<semaphore_mem>>
      tpu.enqueue_dma source(%arg3 : memref<2048xf32, #tpu.memory_space<hbm>>) target(%arg8 : memref<2048xf32, #tpu.memory_space<vmem>>) target_semaphore(%run_scoped3A : memref<!tpu.dma_semaphore, #tpu.memory_space<semaphore_mem>>)
      tpu.wait_dma2 semaphore(%run_scoped3A : memref<!tpu.dma_semaphore, #tpu.memory_space<semaphore_mem>>) src(%arg3 : memref<2048xf32, #tpu.memory_space<hbm>>) dst(%arg8 : memref<2048xf32, #tpu.memory_space<vmem>>)
      tpu.yield
    }) : () -> ()
    "tpu.region"() ({
      %run_scoped3A = tpu.sem_alloc : memref<!tpu.dma_semaphore, #tpu.memory_space<semaphore_mem>>
      tpu.enqueue_dma source(%arg4 : memref<2048xf32, #tpu.memory_space<hbm>>) target(%arg9 : memref<2048xf32, #tpu.memory_space<vmem>>) target_semaphore(%run_scoped3A : memref<!tpu.dma_semaphore, #tpu.memory_space<semaphore_mem>>)
      tpu.wait_dma2 semaphore(%run_scoped3A : memref<!tpu.dma_semaphore, #tpu.memory_space<semaphore_mem>>) src(%arg4 : memref<2048xf32, #tpu.memory_space<hbm>>) dst(%arg9 : memref<2048xf32, #tpu.memory_space<vmem>>)
      tpu.yield
    }) : () -> ()
    "tpu.region"() ({
      %run_scoped3A = tpu.sem_alloc : memref<!tpu.dma_semaphore, #tpu.memory_space<semaphore_mem>>
      tpu.enqueue_dma source(%arg5 : memref<48xi32, #tpu.memory_space<hbm>>) target(%arg10 : memref<48xi32, #tpu.memory_space<vmem>>) target_semaphore(%run_scoped3A : memref<!tpu.dma_semaphore, #tpu.memory_space<semaphore_mem>>)
      tpu.wait_dma2 semaphore(%run_scoped3A : memref<!tpu.dma_semaphore, #tpu.memory_space<semaphore_mem>>) src(%arg5 : memref<48xi32, #tpu.memory_space<hbm>>) dst(%arg10 : memref<48xi32, #tpu.memory_space<vmem>>)
      tpu.yield
    }) : () -> ()
    %get3A = arith.index_cast %add3A : i32 to index
    %get3A_1 = tpu.vector_load %arg10[%get3A] {strides = array<i32>} : memref<48xi32, #tpu.memory_space<vmem>>, vector<1xi32>,
    %get3A_2 = vector.shape_cast %get3A_1 : vector<1xi32> to vector<1xi32>
    %squeeze3A = vector.extract %get3A_2[0] : i32 from vector<1xi32>
    %add3A_3 = arith.constant 1 : i32
    %add3A_4 = arith.addi %add3A, %add3A_3 : i32
    %get3A_5 = arith.index_cast %add3A_4 : i32 to index
    %get3A_6 = tpu.vector_load %arg10[%get3A_5] {strides = array<i32>} : memref<48xi32, #tpu.memory_space<vmem>>, vector<1xi32>,
    %get3A_7 = vector.shape_cast %get3A_6 : vector<1xi32> to vector<1xi32>
    %squeeze3A_8 = vector.extract %get3A_7[0] : i32 from vector<1xi32>
    %while3A = arith.constant 0 : i32
    %while3A_9 = arith.constant 0 : i32
    %while3A_10 = arith.subi %squeeze3A_8, %while3A_9 : i32
    %while3A_11 = arith.addi %while3A_9, %while3A_10 : i32
    %while3A_12 = arith.constant 1 : i32
    %while3A_13 = arith.divsi %while3A_10, %while3A_12 : i32
    %while3A_14 = arith.muli %while3A_13, %while3A_12 : i32
    %while3A_15 = arith.addi %while3A_9, %while3A_14 : i32
    %while3A_16 = arith.constant 1 : i32
    scf.for %while3A_36 = %while3A_9 to %while3A_15 step %while3A_16  : i32 {
      %mul3A_37 = arith.constant 16 : i32
      %mul3A_38 = arith.muli %while3A_36, %mul3A_37 : i32
      %get3A_39 = arith.index_cast %mul3A_38 : i32 to index
      %get3A_40 = tpu.vector_load %arg8[%get3A_39] {strides = array<i32>} : memref<2048xf32, #tpu.memory_space<vmem>>, vector<16xf32>,
      %get3A_41 = vector.shape_cast %get3A_40 : vector<16xf32> to vector<16xf32>
      %mul3A_42 = arith.constant 1.000000e+01 : f32
      %mul3A_43 = vector.broadcast %mul3A_42 : f32 to vector<16xf32>
      %mul3A_44 = arith.mulf %get3A_41, %mul3A_43 : vector<16xf32>
      %exp3A = math.exp %mul3A_44 : vector<16xf32>
      %swap3A_45 = arith.index_cast %mul3A_38 : i32 to index
      %swap3A_46 = tpu.vector_load %arg8[%swap3A_45] {strides = array<i32>} : memref<2048xf32, #tpu.memory_space<vmem>>, vector<16xf32>,
      %swap3A_47 = vector.shape_cast %swap3A_46 : vector<16xf32> to vector<16xf32>
      %swap3A_48 = vector.shape_cast %exp3A : vector<16xf32> to vector<16xf32>
      tpu.vector_store %arg8[%swap3A_45], %swap3A_48 {strides = array<i32>} : memref<2048xf32, #tpu.memory_space<vmem>>, vector<16xf32>,
    }
    %while3A_17 = arith.constant 1 : i32
    scf.for %while3A_36 = %while3A_15 to %while3A_11 step %while3A_17  : i32 {
      %mul3A_37 = arith.constant 16 : i32
      %mul3A_38 = arith.muli %while3A_36, %mul3A_37 : i32
      %get3A_39 = arith.index_cast %mul3A_38 : i32 to index
      %get3A_40 = tpu.vector_load %arg8[%get3A_39] {strides = array<i32>} : memref<2048xf32, #tpu.memory_space<vmem>>, vector<16xf32>,
      %get3A_41 = vector.shape_cast %get3A_40 : vector<16xf32> to vector<16xf32>
      %mul3A_42 = arith.constant 1.000000e+01 : f32
      %mul3A_43 = vector.broadcast %mul3A_42 : f32 to vector<16xf32>
      %mul3A_44 = arith.mulf %get3A_41, %mul3A_43 : vector<16xf32>
      %exp3A = math.exp %mul3A_44 : vector<16xf32>
      %swap3A_45 = arith.index_cast %mul3A_38 : i32 to index
      %swap3A_46 = tpu.vector_load %arg8[%swap3A_45] {strides = array<i32>} : memref<2048xf32, #tpu.memory_space<vmem>>, vector<16xf32>,
      %swap3A_47 = vector.shape_cast %swap3A_46 : vector<16xf32> to vector<16xf32>
      %swap3A_48 = vector.shape_cast %exp3A : vector<16xf32> to vector<16xf32>
      tpu.vector_store %arg8[%swap3A_45], %swap3A_48 {strides = array<i32>} : memref<2048xf32, #tpu.memory_space<vmem>>, vector<16xf32>,
    }
    %broadcast_in_dim3A = arith.constant 0.000000e+00 : f32
    %broadcast_in_dim3A_18 = vector.broadcast %broadcast_in_dim3A : f32 to vector<16xf32>
    %while3A_19 = arith.subi %squeeze3A_8, %squeeze3A : i32
    %while3A_20 = arith.addi %squeeze3A, %while3A_19 : i32
    %while3A_21 = arith.constant 1 : i32
    %while3A_22 = arith.divsi %while3A_19, %while3A_21 : i32
    %while3A_23 = arith.muli %while3A_22, %while3A_21 : i32
    %while3A_24 = arith.addi %squeeze3A, %while3A_23 : i32
    %while3A_25 = arith.constant 1 : i32
    %while3A_26:2 = scf.for %while3A_36 = %squeeze3A to %while3A_24 step %while3A_25 iter_args(%while3A_37 = %broadcast_in_dim3A_18, %while3A_38 = %broadcast_in_dim3A_18) -> (vector<16xf32>, vector<16xf32>)  : i32 {
      %mul3A_39 = arith.constant 16 : i32
      %mul3A_40 = arith.muli %while3A_36, %mul3A_39 : i32
      %get3A_41 = arith.index_cast %mul3A_40 : i32 to index
      %get3A_42 = tpu.vector_load %arg7[%get3A_41] {strides = array<i32>} : memref<2048xf32, #tpu.memory_space<vmem>>, vector<16xf32>,
      %get3A_43 = vector.shape_cast %get3A_42 : vector<16xf32> to vector<16xf32>
      %get3A_44 = arith.index_cast %mul3A_40 : i32 to index
      %get3A_45 = tpu.vector_load %arg8[%get3A_44] {strides = array<i32>} : memref<2048xf32, #tpu.memory_space<vmem>>, vector<16xf32>,
      %get3A_46 = vector.shape_cast %get3A_45 : vector<16xf32> to vector<16xf32>
      %scan3A = arith.constant 0 : i32
      %scan3A_47 = arith.constant 4 : i32
      %scan3A_48 = arith.addi %scan3A, %scan3A_47 : i32
      %scan3A_49 = arith.constant 1 : i32
      %scan3A_50:2 = scf.for %scan3A_52 = %scan3A to %scan3A_48 step %scan3A_49 iter_args(%scan3A_53 = %while3A_37, %scan3A_54 = %while3A_38) -> (vector<16xf32>, vector<16xf32>)  : i32 {
        %mul3A_55 = arith.constant 4 : i32
        %mul3A_56 = arith.muli %scan3A_52, %mul3A_55 : i32
        %add3A_57 = arith.constant 0 : i32
        %add3A_58 = arith.addi %mul3A_56, %add3A_57 : i32
        %broadcast_in_dim3A_59 = vector.broadcast %add3A_58 : i32 to vector<16xi32>
        %broadcast_in_dim3A_60 = vector.shape_cast %broadcast_in_dim3A_59 : vector<16xi32> to vector<16x1xi32>
        %gather3A = vector.shape_cast %broadcast_in_dim3A_60 : vector<16x1xi32> to vector<16xi32>
        %gather3A_61 = tpu.dynamic_gather %get3A_43[%gather3A] in [0] : vector<16xf32>, vector<16xi32> -> vector<16xf32>
        %broadcast_in_dim3A_62 = vector.shape_cast %broadcast_in_dim3A_59 : vector<16xi32> to vector<16x1xi32>
        %gather3A_63 = vector.shape_cast %broadcast_in_dim3A_62 : vector<16x1xi32> to vector<16xi32>
        %gather3A_64 = tpu.dynamic_gather %get3A_46[%gather3A_63] in [0] : vector<16xf32>, vector<16xi32> -> vector<16xf32>
        %mul3A_65 = arith.constant 4 : i32
        %mul3A_66 = arith.muli %scan3A_52, %mul3A_65 : i32
        %add3A_67 = arith.constant 1 : i32
        %add3A_68 = arith.addi %mul3A_66, %add3A_67 : i32
        %broadcast_in_dim3A_69 = vector.broadcast %add3A_68 : i32 to vector<16xi32>
        %broadcast_in_dim3A_70 = vector.shape_cast %broadcast_in_dim3A_69 : vector<16xi32> to vector<16x1xi32>
        %gather3A_71 = vector.shape_cast %broadcast_in_dim3A_70 : vector<16x1xi32> to vector<16xi32>
        %gather3A_72 = tpu.dynamic_gather %get3A_43[%gather3A_71] in [0] : vector<16xf32>, vector<16xi32> -> vector<16xf32>
        %broadcast_in_dim3A_73 = vector.shape_cast %broadcast_in_dim3A_69 : vector<16xi32> to vector<16x1xi32>
        %gather3A_74 = vector.shape_cast %broadcast_in_dim3A_73 : vector<16x1xi32> to vector<16xi32>
        %gather3A_75 = tpu.dynamic_gather %get3A_46[%gather3A_74] in [0] : vector<16xf32>, vector<16xi32> -> vector<16xf32>
        %mul3A_76 = arith.constant 4 : i32
        %mul3A_77 = arith.muli %scan3A_52, %mul3A_76 : i32
        %add3A_78 = arith.constant 2 : i32
        %add3A_79 = arith.addi %mul3A_77, %add3A_78 : i32
        %broadcast_in_dim3A_80 = vector.broadcast %add3A_79 : i32 to vector<16xi32>
        %broadcast_in_dim3A_81 = vector.shape_cast %broadcast_in_dim3A_80 : vector<16xi32> to vector<16x1xi32>
        %gather3A_82 = vector.shape_cast %broadcast_in_dim3A_81 : vector<16x1xi32> to vector<16xi32>
        %gather3A_83 = tpu.dynamic_gather %get3A_43[%gather3A_82] in [0] : vector<16xf32>, vector<16xi32> -> vector<16xf32>
        %broadcast_in_dim3A_84 = vector.shape_cast %broadcast_in_dim3A_80 : vector<16xi32> to vector<16x1xi32>
        %gather3A_85 = vector.shape_cast %broadcast_in_dim3A_84 : vector<16x1xi32> to vector<16xi32>
        %gather3A_86 = tpu.dynamic_gather %get3A_46[%gather3A_85] in [0] : vector<16xf32>, vector<16xi32> -> vector<16xf32>
        %mul3A_87 = arith.constant 4 : i32
        %mul3A_88 = arith.muli %scan3A_52, %mul3A_87 : i32
        %add3A_89 = arith.constant 3 : i32
        %add3A_90 = arith.addi %mul3A_88, %add3A_89 : i32
        %broadcast_in_dim3A_91 = vector.broadcast %add3A_90 : i32 to vector<16xi32>
        %broadcast_in_dim3A_92 = vector.shape_cast %broadcast_in_dim3A_91 : vector<16xi32> to vector<16x1xi32>
        %gather3A_93 = vector.shape_cast %broadcast_in_dim3A_92 : vector<16x1xi32> to vector<16xi32>
        %gather3A_94 = tpu.dynamic_gather %get3A_43[%gather3A_93] in [0] : vector<16xf32>, vector<16xi32> -> vector<16xf32>
        %broadcast_in_dim3A_95 = vector.shape_cast %broadcast_in_dim3A_91 : vector<16xi32> to vector<16x1xi32>
        %gather3A_96 = vector.shape_cast %broadcast_in_dim3A_95 : vector<16x1xi32> to vector<16xi32>
        %gather3A_97 = tpu.dynamic_gather %get3A_46[%gather3A_96] in [0] : vector<16xf32>, vector<16xi32> -> vector<16xf32>
        %add3A_98 = arith.constant 4 : i32
        %add3A_99 = arith.addi %while3A_36, %add3A_98 : i32
        %jit3A = arith.constant 4 : i32
        %div3A = arith.divsi %add3A_99, %jit3A : i32
        %sign3A = arith.constant 0 : i32
        %sign3A_100 = arith.cmpi sgt, %add3A_99, %sign3A : i32
        %sign3A_101 = arith.extui %sign3A_100 : i1 to i32
        %sign3A_102 = arith.constant 0 : i32
        %sign3A_103 = arith.cmpi slt, %add3A_99, %sign3A_102 : i32
        %sign3A_104 = arith.extui %sign3A_103 : i1 to i32
        %sign3A_105 = arith.subi %sign3A_101, %sign3A_104 : i32
        %sign3A_106 = arith.constant 0 : i32
        %sign3A_107 = arith.cmpi sgt, %jit3A, %sign3A_106 : i32
        %sign3A_108 = arith.extui %sign3A_107 : i1 to i32
        %sign3A_109 = arith.constant 0 : i32
        %sign3A_110 = arith.cmpi slt, %jit3A, %sign3A_109 : i32
        %sign3A_111 = arith.extui %sign3A_110 : i1 to i32
        %sign3A_112 = arith.subi %sign3A_108, %sign3A_111 : i32
        %ne3A = arith.cmpi ne, %sign3A_105, %sign3A_112 : i32
        %rem3A = arith.remsi %add3A_99, %jit3A : i32
        %ne3A_113 = arith.constant 0 : i32
        %ne3A_114 = arith.cmpi ne, %rem3A, %ne3A_113 : i32
        %and3A = arith.andi %ne3A, %ne3A_114 : i1
        %sub3A = arith.constant 1 : i32
        %sub3A_115 = arith.subi %div3A, %sub3A : i32
        %select_n3A = arith.select %and3A, %sub3A_115, %div3A : i32
        %while3A_116 = arith.constant 0 : i32
        %while3A_117 = arith.subi %select_n3A, %while3A_116 : i32
        %while3A_118 = arith.addi %while3A_116, %while3A_117 : i32
        %while3A_119 = arith.constant 1 : i32
        %while3A_120 = arith.divsi %while3A_117, %while3A_119 : i32
        %while3A_121 = arith.muli %while3A_120, %while3A_119 : i32
        %while3A_122 = arith.addi %while3A_116, %while3A_121 : i32
        %while3A_123 = arith.constant 1 : i32
        %while3A_124:2 = scf.for %while3A_127 = %while3A_116 to %while3A_122 step %while3A_123 iter_args(%while3A_128 = %scan3A_53, %while3A_129 = %scan3A_54) -> (vector<16xf32>, vector<16xf32>)  : i32 {
          %mul3A_130 = arith.constant 4 : i32
          %mul3A_131 = arith.muli %while3A_127, %mul3A_130 : i32
          %add3A_132 = arith.constant 0 : i32
          %add3A_133 = arith.addi %mul3A_131, %add3A_132 : i32
          %mul3A_134 = arith.constant 16 : i32
          %mul3A_135 = arith.muli %add3A_133, %mul3A_134 : i32
          %get3A_136 = arith.index_cast %mul3A_135 : i32 to index
          %get3A_137 = tpu.vector_load %arg7[%get3A_136] {strides = array<i32>} : memref<2048xf32, #tpu.memory_space<vmem>>, vector<16xf32>,
          %get3A_138 = vector.shape_cast %get3A_137 : vector<16xf32> to vector<16xf32>
          %get3A_139 = arith.index_cast %mul3A_135 : i32 to index
          %get3A_140 = tpu.vector_load %arg8[%get3A_139] {strides = array<i32>} : memref<2048xf32, #tpu.memory_space<vmem>>, vector<16xf32>,
          %get3A_141 = vector.shape_cast %get3A_140 : vector<16xf32> to vector<16xf32>
          %get3A_142 = arith.index_cast %mul3A_135 : i32 to index
          %get3A_143 = tpu.vector_load %arg9[%get3A_142] {strides = array<i32>} : memref<2048xf32, #tpu.memory_space<vmem>>, vector<16xf32>,
          %get3A_144 = vector.shape_cast %get3A_143 : vector<16xf32> to vector<16xf32>
          %gt3A = arith.cmpf ogt, %gather3A_61, %get3A_138 : vector<16xf32>
          %jit3A_145 = arith.constant 0.000000e+00 : f32
          %broadcast_in_dim3A_146 = vector.broadcast %jit3A_145 : f32 to vector<16xf32>
          %select_n3A_147 = arith.select %gt3A, %get3A_144, %broadcast_in_dim3A_146 : vector<16xi1>, vector<16xf32>
          %add3A_148 = arith.addf %gather3A_64, %get3A_141 : vector<16xf32>
          %div3A_149 = arith.divf %gather3A_64, %add3A_148 : vector<16xf32>
          %mul3A_150 = arith.mulf %div3A_149, %select_n3A_147 : vector<16xf32>
          %add3A_151 = arith.addf %while3A_128, %mul3A_150 : vector<16xf32>
          %add3A_152 = arith.addf %while3A_129, %select_n3A_147 : vector<16xf32>
          %gt3A_153 = arith.cmpf ogt, %gather3A_72, %get3A_138 : vector<16xf32>
          %jit3A_154 = arith.constant 0.000000e+00 : f32
          %broadcast_in_dim3A_155 = vector.broadcast %jit3A_154 : f32 to vector<16xf32>
          %select_n3A_156 = arith.select %gt3A_153, %get3A_144, %broadcast_in_dim3A_155 : vector<16xi1>, vector<16xf32>
          %add3A_157 = arith.addf %gather3A_75, %get3A_141 : vector<16xf32>
          %div3A_158 = arith.divf %gather3A_75, %add3A_157 : vector<16xf32>
          %mul3A_159 = arith.mulf %div3A_158, %select_n3A_156 : vector<16xf32>
          %add3A_160 = arith.addf %add3A_151, %mul3A_159 : vector<16xf32>
          %add3A_161 = arith.addf %add3A_152, %select_n3A_156 : vector<16xf32>
          %gt3A_162 = arith.cmpf ogt, %gather3A_83, %get3A_138 : vector<16xf32>
          %jit3A_163 = arith.constant 0.000000e+00 : f32
          %broadcast_in_dim3A_164 = vector.broadcast %jit3A_163 : f32 to vector<16xf32>
          %select_n3A_165 = arith.select %gt3A_162, %get3A_144, %broadcast_in_dim3A_164 : vector<16xi1>, vector<16xf32>
          %add3A_166 = arith.addf %gather3A_86, %get3A_141 : vector<16xf32>
          %div3A_167 = arith.divf %gather3A_86, %add3A_166 : vector<16xf32>
          %mul3A_168 = arith.mulf %div3A_167, %select_n3A_165 : vector<16xf32>
          %add3A_169 = arith.addf %add3A_160, %mul3A_168 : vector<16xf32>
          %add3A_170 = arith.addf %add3A_161, %select_n3A_165 : vector<16xf32>
          %gt3A_171 = arith.cmpf ogt, %gather3A_94, %get3A_138 : vector<16xf32>
          %jit3A_172 = arith.constant 0.000000e+00 : f32
          %broadcast_in_dim3A_173 = vector.broadcast %jit3A_172 : f32 to vector<16xf32>
          %select_n3A_174 = arith.select %gt3A_171, %get3A_144, %broadcast_in_dim3A_173 : vector<16xi1>, vector<16xf32>
          %add3A_175 = arith.addf %gather3A_97, %get3A_141 : vector<16xf32>
          %div3A_176 = arith.divf %gather3A_97, %add3A_175 : vector<16xf32>
          %mul3A_177 = arith.mulf %div3A_176, %select_n3A_174 : vector<16xf32>
          %add3A_178 = arith.addf %add3A_169, %mul3A_177 : vector<16xf32>
          %add3A_179 = arith.addf %add3A_170, %select_n3A_174 : vector<16xf32>
          %mul3A_180 = arith.constant 4 : i32
          %mul3A_181 = arith.muli %while3A_127, %mul3A_180 : i32
          %add3A_182 = arith.constant 1 : i32
          %add3A_183 = arith.addi %mul3A_181, %add3A_182 : i32
          %mul3A_184 = arith.constant 16 : i32
          %mul3A_185 = arith.muli %add3A_183, %mul3A_184 : i32
          %get3A_186 = arith.index_cast %mul3A_185 : i32 to index
          %get3A_187 = tpu.vector_load %arg7[%get3A_186] {strides = array<i32>} : memref<2048xf32, #tpu.memory_space<vmem>>, vector<16xf32>,
          %get3A_188 = vector.shape_cast %get3A_187 : vector<16xf32> to vector<16xf32>
          %get3A_189 = arith.index_cast %mul3A_185 : i32 to index
          %get3A_190 = tpu.vector_load %arg8[%get3A_189] {strides = array<i32>} : memref<2048xf32, #tpu.memory_space<vmem>>, vector<16xf32>,
          %get3A_191 = vector.shape_cast %get3A_190 : vector<16xf32> to vector<16xf32>
          %get3A_192 = arith.index_cast %mul3A_185 : i32 to index
          %get3A_193 = tpu.vector_load %arg9[%get3A_192] {strides = array<i32>} : memref<2048xf32, #tpu.memory_space<vmem>>, vector<16xf32>,
          %get3A_194 = vector.shape_cast %get3A_193 : vector<16xf32> to vector<16xf32>
          %gt3A_195 = arith.cmpf ogt, %gather3A_61, %get3A_188 : vector<16xf32>
          %jit3A_196 = arith.constant 0.000000e+00 : f32
          %broadcast_in_dim3A_197 = vector.broadcast %jit3A_196 : f32 to vector<16xf32>
          %select_n3A_198 = arith.select %gt3A_195, %get3A_194, %broadcast_in_dim3A_197 : vector<16xi1>, vector<16xf32>
          %add3A_199 = arith.addf %gather3A_64, %get3A_191 : vector<16xf32>
          %div3A_200 = arith.divf %gather3A_64, %add3A_199 : vector<16xf32>
          %mul3A_201 = arith.mulf %div3A_200, %select_n3A_198 : vector<16xf32>
          %add3A_202 = arith.addf %add3A_178, %mul3A_201 : vector<16xf32>
          %add3A_203 = arith.addf %add3A_179, %select_n3A_198 : vector<16xf32>
          %gt3A_204 = arith.cmpf ogt, %gather3A_72, %get3A_188 : vector<16xf32>
          %jit3A_205 = arith.constant 0.000000e+00 : f32
          %broadcast_in_dim3A_206 = vector.broadcast %jit3A_205 : f32 to vector<16xf32>
          %select_n3A_207 = arith.select %gt3A_204, %get3A_194, %broadcast_in_dim3A_206 : vector<16xi1>, vector<16xf32>
          %add3A_208 = arith.addf %gather3A_75, %get3A_191 : vector<16xf32>
          %div3A_209 = arith.divf %gather3A_75, %add3A_208 : vector<16xf32>
          %mul3A_210 = arith.mulf %div3A_209, %select_n3A_207 : vector<16xf32>
          %add3A_211 = arith.addf %add3A_202, %mul3A_210 : vector<16xf32>
          %add3A_212 = arith.addf %add3A_203, %select_n3A_207 : vector<16xf32>
          %gt3A_213 = arith.cmpf ogt, %gather3A_83, %get3A_188 : vector<16xf32>
          %jit3A_214 = arith.constant 0.000000e+00 : f32
          %broadcast_in_dim3A_215 = vector.broadcast %jit3A_214 : f32 to vector<16xf32>
          %select_n3A_216 = arith.select %gt3A_213, %get3A_194, %broadcast_in_dim3A_215 : vector<16xi1>, vector<16xf32>
          %add3A_217 = arith.addf %gather3A_86, %get3A_191 : vector<16xf32>
          %div3A_218 = arith.divf %gather3A_86, %add3A_217 : vector<16xf32>
          %mul3A_219 = arith.mulf %div3A_218, %select_n3A_216 : vector<16xf32>
          %add3A_220 = arith.addf %add3A_211, %mul3A_219 : vector<16xf32>
          %add3A_221 = arith.addf %add3A_212, %select_n3A_216 : vector<16xf32>
          %gt3A_222 = arith.cmpf ogt, %gather3A_94, %get3A_188 : vector<16xf32>
          %jit3A_223 = arith.constant 0.000000e+00 : f32
          %broadcast_in_dim3A_224 = vector.broadcast %jit3A_223 : f32 to vector<16xf32>
          %select_n3A_225 = arith.select %gt3A_222, %get3A_194, %broadcast_in_dim3A_224 : vector<16xi1>, vector<16xf32>
          %add3A_226 = arith.addf %gather3A_97, %get3A_191 : vector<16xf32>
          %div3A_227 = arith.divf %gather3A_97, %add3A_226 : vector<16xf32>
          %mul3A_228 = arith.mulf %div3A_227, %select_n3A_225 : vector<16xf32>
          %add3A_229 = arith.addf %add3A_220, %mul3A_228 : vector<16xf32>
          %add3A_230 = arith.addf %add3A_221, %select_n3A_225 : vector<16xf32>
          %mul3A_231 = arith.constant 4 : i32
          %mul3A_232 = arith.muli %while3A_127, %mul3A_231 : i32
          %add3A_233 = arith.constant 2 : i32
          %add3A_234 = arith.addi %mul3A_232, %add3A_233 : i32
          %mul3A_235 = arith.constant 16 : i32
          %mul3A_236 = arith.muli %add3A_234, %mul3A_235 : i32
          %get3A_237 = arith.index_cast %mul3A_236 : i32 to index
          %get3A_238 = tpu.vector_load %arg7[%get3A_237] {strides = array<i32>} : memref<2048xf32, #tpu.memory_space<vmem>>, vector<16xf32>,
          %get3A_239 = vector.shape_cast %get3A_238 : vector<16xf32> to vector<16xf32>
          %get3A_240 = arith.index_cast %mul3A_236 : i32 to index
          %get3A_241 = tpu.vector_load %arg8[%get3A_240] {strides = array<i32>} : memref<2048xf32, #tpu.memory_space<vmem>>, vector<16xf32>,
          %get3A_242 = vector.shape_cast %get3A_241 : vector<16xf32> to vector<16xf32>
          %get3A_243 = arith.index_cast %mul3A_236 : i32 to index
          %get3A_244 = tpu.vector_load %arg9[%get3A_243] {strides = array<i32>} : memref<2048xf32, #tpu.memory_space<vmem>>, vector<16xf32>,
          %get3A_245 = vector.shape_cast %get3A_244 : vector<16xf32> to vector<16xf32>
          %gt3A_246 = arith.cmpf ogt, %gather3A_61, %get3A_239 : vector<16xf32>
          %jit3A_247 = arith.constant 0.000000e+00 : f32
          %broadcast_in_dim3A_248 = vector.broadcast %jit3A_247 : f32 to vector<16xf32>
          %select_n3A_249 = arith.select %gt3A_246, %get3A_245, %broadcast_in_dim3A_248 : vector<16xi1>, vector<16xf32>
          %add3A_250 = arith.addf %gather3A_64, %get3A_242 : vector<16xf32>
          %div3A_251 = arith.divf %gather3A_64, %add3A_250 : vector<16xf32>
          %mul3A_252 = arith.mulf %div3A_251, %select_n3A_249 : vector<16xf32>
          %add3A_253 = arith.addf %add3A_229, %mul3A_252 : vector<16xf32>
          %add3A_254 = arith.addf %add3A_230, %select_n3A_249 : vector<16xf32>
          %gt3A_255 = arith.cmpf ogt, %gather3A_72, %get3A_239 : vector<16xf32>
          %jit3A_256 = arith.constant 0.000000e+00 : f32
          %broadcast_in_dim3A_257 = vector.broadcast %jit3A_256 : f32 to vector<16xf32>
          %select_n3A_258 = arith.select %gt3A_255, %get3A_245, %broadcast_in_dim3A_257 : vector<16xi1>, vector<16xf32>
          %add3A_259 = arith.addf %gather3A_75, %get3A_242 : vector<16xf32>
          %div3A_260 = arith.divf %gather3A_75, %add3A_259 : vector<16xf32>
          %mul3A_261 = arith.mulf %div3A_260, %select_n3A_258 : vector<16xf32>
          %add3A_262 = arith.addf %add3A_253, %mul3A_261 : vector<16xf32>
          %add3A_263 = arith.addf %add3A_254, %select_n3A_258 : vector<16xf32>
          %gt3A_264 = arith.cmpf ogt, %gather3A_83, %get3A_239 : vector<16xf32>
          %jit3A_265 = arith.constant 0.000000e+00 : f32
          %broadcast_in_dim3A_266 = vector.broadcast %jit3A_265 : f32 to vector<16xf32>
          %select_n3A_267 = arith.select %gt3A_264, %get3A_245, %broadcast_in_dim3A_266 : vector<16xi1>, vector<16xf32>
          %add3A_268 = arith.addf %gather3A_86, %get3A_242 : vector<16xf32>
          %div3A_269 = arith.divf %gather3A_86, %add3A_268 : vector<16xf32>
          %mul3A_270 = arith.mulf %div3A_269, %select_n3A_267 : vector<16xf32>
          %add3A_271 = arith.addf %add3A_262, %mul3A_270 : vector<16xf32>
          %add3A_272 = arith.addf %add3A_263, %select_n3A_267 : vector<16xf32>
          %gt3A_273 = arith.cmpf ogt, %gather3A_94, %get3A_239 : vector<16xf32>
          %jit3A_274 = arith.constant 0.000000e+00 : f32
          %broadcast_in_dim3A_275 = vector.broadcast %jit3A_274 : f32 to vector<16xf32>
          %select_n3A_276 = arith.select %gt3A_273, %get3A_245, %broadcast_in_dim3A_275 : vector<16xi1>, vector<16xf32>
          %add3A_277 = arith.addf %gather3A_97, %get3A_242 : vector<16xf32>
          %div3A_278 = arith.divf %gather3A_97, %add3A_277 : vector<16xf32>
          %mul3A_279 = arith.mulf %div3A_278, %select_n3A_276 : vector<16xf32>
          %add3A_280 = arith.addf %add3A_271, %mul3A_279 : vector<16xf32>
          %add3A_281 = arith.addf %add3A_272, %select_n3A_276 : vector<16xf32>
          %mul3A_282 = arith.constant 4 : i32
          %mul3A_283 = arith.muli %while3A_127, %mul3A_282 : i32
          %add3A_284 = arith.constant 3 : i32
          %add3A_285 = arith.addi %mul3A_283, %add3A_284 : i32
          %mul3A_286 = arith.constant 16 : i32
          %mul3A_287 = arith.muli %add3A_285, %mul3A_286 : i32
          %get3A_288 = arith.index_cast %mul3A_287 : i32 to index
          %get3A_289 = tpu.vector_load %arg7[%get3A_288] {strides = array<i32>} : memref<2048xf32, #tpu.memory_space<vmem>>, vector<16xf32>,
          %get3A_290 = vector.shape_cast %get3A_289 : vector<16xf32> to vector<16xf32>
          %get3A_291 = arith.index_cast %mul3A_287 : i32 to index
          %get3A_292 = tpu.vector_load %arg8[%get3A_291] {strides = array<i32>} : memref<2048xf32, #tpu.memory_space<vmem>>, vector<16xf32>,
          %get3A_293 = vector.shape_cast %get3A_292 : vector<16xf32> to vector<16xf32>
          %get3A_294 = arith.index_cast %mul3A_287 : i32 to index
          %get3A_295 = tpu.vector_load %arg9[%get3A_294] {strides = array<i32>} : memref<2048xf32, #tpu.memory_space<vmem>>, vector<16xf32>,
          %get3A_296 = vector.shape_cast %get3A_295 : vector<16xf32> to vector<16xf32>
          %gt3A_297 = arith.cmpf ogt, %gather3A_61, %get3A_290 : vector<16xf32>
          %jit3A_298 = arith.constant 0.000000e+00 : f32
          %broadcast_in_dim3A_299 = vector.broadcast %jit3A_298 : f32 to vector<16xf32>
          %select_n3A_300 = arith.select %gt3A_297, %get3A_296, %broadcast_in_dim3A_299 : vector<16xi1>, vector<16xf32>
          %add3A_301 = arith.addf %gather3A_64, %get3A_293 : vector<16xf32>
          %div3A_302 = arith.divf %gather3A_64, %add3A_301 : vector<16xf32>
          %mul3A_303 = arith.mulf %div3A_302, %select_n3A_300 : vector<16xf32>
          %add3A_304 = arith.addf %add3A_280, %mul3A_303 : vector<16xf32>
          %add3A_305 = arith.addf %add3A_281, %select_n3A_300 : vector<16xf32>
          %gt3A_306 = arith.cmpf ogt, %gather3A_72, %get3A_290 : vector<16xf32>
          %jit3A_307 = arith.constant 0.000000e+00 : f32
          %broadcast_in_dim3A_308 = vector.broadcast %jit3A_307 : f32 to vector<16xf32>
          %select_n3A_309 = arith.select %gt3A_306, %get3A_296, %broadcast_in_dim3A_308 : vector<16xi1>, vector<16xf32>
          %add3A_310 = arith.addf %gather3A_75, %get3A_293 : vector<16xf32>
          %div3A_311 = arith.divf %gather3A_75, %add3A_310 : vector<16xf32>
          %mul3A_312 = arith.mulf %div3A_311, %select_n3A_309 : vector<16xf32>
          %add3A_313 = arith.addf %add3A_304, %mul3A_312 : vector<16xf32>
          %add3A_314 = arith.addf %add3A_305, %select_n3A_309 : vector<16xf32>
          %gt3A_315 = arith.cmpf ogt, %gather3A_83, %get3A_290 : vector<16xf32>
          %jit3A_316 = arith.constant 0.000000e+00 : f32
          %broadcast_in_dim3A_317 = vector.broadcast %jit3A_316 : f32 to vector<16xf32>
          %select_n3A_318 = arith.select %gt3A_315, %get3A_296, %broadcast_in_dim3A_317 : vector<16xi1>, vector<16xf32>
          %add3A_319 = arith.addf %gather3A_86, %get3A_293 : vector<16xf32>
          %div3A_320 = arith.divf %gather3A_86, %add3A_319 : vector<16xf32>
          %mul3A_321 = arith.mulf %div3A_320, %select_n3A_318 : vector<16xf32>
          %add3A_322 = arith.addf %add3A_313, %mul3A_321 : vector<16xf32>
          %add3A_323 = arith.addf %add3A_314, %select_n3A_318 : vector<16xf32>
          %gt3A_324 = arith.cmpf ogt, %gather3A_94, %get3A_290 : vector<16xf32>
          %jit3A_325 = arith.constant 0.000000e+00 : f32
          %broadcast_in_dim3A_326 = vector.broadcast %jit3A_325 : f32 to vector<16xf32>
          %select_n3A_327 = arith.select %gt3A_324, %get3A_296, %broadcast_in_dim3A_326 : vector<16xi1>, vector<16xf32>
          %add3A_328 = arith.addf %gather3A_97, %get3A_293 : vector<16xf32>
          %div3A_329 = arith.divf %gather3A_97, %add3A_328 : vector<16xf32>
          %mul3A_330 = arith.mulf %div3A_329, %select_n3A_327 : vector<16xf32>
          %add3A_331 = arith.addf %add3A_322, %mul3A_330 : vector<16xf32>
          %add3A_332 = arith.addf %add3A_323, %select_n3A_327 : vector<16xf32>
          scf.yield %add3A_331, %add3A_332 : vector<16xf32>, vector<16xf32>
        }
        %while3A_125 = arith.constant 1 : i32
        %while3A_126:2 = scf.for %while3A_127 = %while3A_122 to %while3A_118 step %while3A_125 iter_args(%while3A_128 = %while3A_124#0, %while3A_129 = %while3A_124#1) -> (vector<16xf32>, vector<16xf32>)  : i32 {
          %mul3A_130 = arith.constant 4 : i32
          %mul3A_131 = arith.muli %while3A_127, %mul3A_130 : i32
          %add3A_132 = arith.constant 0 : i32
          %add3A_133 = arith.addi %mul3A_131, %add3A_132 : i32
          %mul3A_134 = arith.constant 16 : i32
          %mul3A_135 = arith.muli %add3A_133, %mul3A_134 : i32
          %get3A_136 = arith.index_cast %mul3A_135 : i32 to index
          %get3A_137 = tpu.vector_load %arg7[%get3A_136] {strides = array<i32>} : memref<2048xf32, #tpu.memory_space<vmem>>, vector<16xf32>,
          %get3A_138 = vector.shape_cast %get3A_137 : vector<16xf32> to vector<16xf32>
          %get3A_139 = arith.index_cast %mul3A_135 : i32 to index
          %get3A_140 = tpu.vector_load %arg8[%get3A_139] {strides = array<i32>} : memref<2048xf32, #tpu.memory_space<vmem>>, vector<16xf32>,
          %get3A_141 = vector.shape_cast %get3A_140 : vector<16xf32> to vector<16xf32>
          %get3A_142 = arith.index_cast %mul3A_135 : i32 to index
          %get3A_143 = tpu.vector_load %arg9[%get3A_142] {strides = array<i32>} : memref<2048xf32, #tpu.memory_space<vmem>>, vector<16xf32>,
          %get3A_144 = vector.shape_cast %get3A_143 : vector<16xf32> to vector<16xf32>
          %gt3A = arith.cmpf ogt, %gather3A_61, %get3A_138 : vector<16xf32>
          %jit3A_145 = arith.constant 0.000000e+00 : f32
          %broadcast_in_dim3A_146 = vector.broadcast %jit3A_145 : f32 to vector<16xf32>
          %select_n3A_147 = arith.select %gt3A, %get3A_144, %broadcast_in_dim3A_146 : vector<16xi1>, vector<16xf32>
          %add3A_148 = arith.addf %gather3A_64, %get3A_141 : vector<16xf32>
          %div3A_149 = arith.divf %gather3A_64, %add3A_148 : vector<16xf32>
          %mul3A_150 = arith.mulf %div3A_149, %select_n3A_147 : vector<16xf32>
          %add3A_151 = arith.addf %while3A_128, %mul3A_150 : vector<16xf32>
          %add3A_152 = arith.addf %while3A_129, %select_n3A_147 : vector<16xf32>
          %gt3A_153 = arith.cmpf ogt, %gather3A_72, %get3A_138 : vector<16xf32>
          %jit3A_154 = arith.constant 0.000000e+00 : f32
          %broadcast_in_dim3A_155 = vector.broadcast %jit3A_154 : f32 to vector<16xf32>
          %select_n3A_156 = arith.select %gt3A_153, %get3A_144, %broadcast_in_dim3A_155 : vector<16xi1>, vector<16xf32>
          %add3A_157 = arith.addf %gather3A_75, %get3A_141 : vector<16xf32>
          %div3A_158 = arith.divf %gather3A_75, %add3A_157 : vector<16xf32>
          %mul3A_159 = arith.mulf %div3A_158, %select_n3A_156 : vector<16xf32>
          %add3A_160 = arith.addf %add3A_151, %mul3A_159 : vector<16xf32>
          %add3A_161 = arith.addf %add3A_152, %select_n3A_156 : vector<16xf32>
          %gt3A_162 = arith.cmpf ogt, %gather3A_83, %get3A_138 : vector<16xf32>
          %jit3A_163 = arith.constant 0.000000e+00 : f32
          %broadcast_in_dim3A_164 = vector.broadcast %jit3A_163 : f32 to vector<16xf32>
          %select_n3A_165 = arith.select %gt3A_162, %get3A_144, %broadcast_in_dim3A_164 : vector<16xi1>, vector<16xf32>
          %add3A_166 = arith.addf %gather3A_86, %get3A_141 : vector<16xf32>
          %div3A_167 = arith.divf %gather3A_86, %add3A_166 : vector<16xf32>
          %mul3A_168 = arith.mulf %div3A_167, %select_n3A_165 : vector<16xf32>
          %add3A_169 = arith.addf %add3A_160, %mul3A_168 : vector<16xf32>
          %add3A_170 = arith.addf %add3A_161, %select_n3A_165 : vector<16xf32>
          %gt3A_171 = arith.cmpf ogt, %gather3A_94, %get3A_138 : vector<16xf32>
          %jit3A_172 = arith.constant 0.000000e+00 : f32
          %broadcast_in_dim3A_173 = vector.broadcast %jit3A_172 : f32 to vector<16xf32>
          %select_n3A_174 = arith.select %gt3A_171, %get3A_144, %broadcast_in_dim3A_173 : vector<16xi1>, vector<16xf32>
          %add3A_175 = arith.addf %gather3A_97, %get3A_141 : vector<16xf32>
          %div3A_176 = arith.divf %gather3A_97, %add3A_175 : vector<16xf32>
          %mul3A_177 = arith.mulf %div3A_176, %select_n3A_174 : vector<16xf32>
          %add3A_178 = arith.addf %add3A_169, %mul3A_177 : vector<16xf32>
          %add3A_179 = arith.addf %add3A_170, %select_n3A_174 : vector<16xf32>
          %mul3A_180 = arith.constant 4 : i32
          %mul3A_181 = arith.muli %while3A_127, %mul3A_180 : i32
          %add3A_182 = arith.constant 1 : i32
          %add3A_183 = arith.addi %mul3A_181, %add3A_182 : i32
          %mul3A_184 = arith.constant 16 : i32
          %mul3A_185 = arith.muli %add3A_183, %mul3A_184 : i32
          %get3A_186 = arith.index_cast %mul3A_185 : i32 to index
          %get3A_187 = tpu.vector_load %arg7[%get3A_186] {strides = array<i32>} : memref<2048xf32, #tpu.memory_space<vmem>>, vector<16xf32>,
          %get3A_188 = vector.shape_cast %get3A_187 : vector<16xf32> to vector<16xf32>
          %get3A_189 = arith.index_cast %mul3A_185 : i32 to index
          %get3A_190 = tpu.vector_load %arg8[%get3A_189] {strides = array<i32>} : memref<2048xf32, #tpu.memory_space<vmem>>, vector<16xf32>,
          %get3A_191 = vector.shape_cast %get3A_190 : vector<16xf32> to vector<16xf32>
          %get3A_192 = arith.index_cast %mul3A_185 : i32 to index
          %get3A_193 = tpu.vector_load %arg9[%get3A_192] {strides = array<i32>} : memref<2048xf32, #tpu.memory_space<vmem>>, vector<16xf32>,
          %get3A_194 = vector.shape_cast %get3A_193 : vector<16xf32> to vector<16xf32>
          %gt3A_195 = arith.cmpf ogt, %gather3A_61, %get3A_188 : vector<16xf32>
          %jit3A_196 = arith.constant 0.000000e+00 : f32
          %broadcast_in_dim3A_197 = vector.broadcast %jit3A_196 : f32 to vector<16xf32>
          %select_n3A_198 = arith.select %gt3A_195, %get3A_194, %broadcast_in_dim3A_197 : vector<16xi1>, vector<16xf32>
          %add3A_199 = arith.addf %gather3A_64, %get3A_191 : vector<16xf32>
          %div3A_200 = arith.divf %gather3A_64, %add3A_199 : vector<16xf32>
          %mul3A_201 = arith.mulf %div3A_200, %select_n3A_198 : vector<16xf32>
          %add3A_202 = arith.addf %add3A_178, %mul3A_201 : vector<16xf32>
          %add3A_203 = arith.addf %add3A_179, %select_n3A_198 : vector<16xf32>
          %gt3A_204 = arith.cmpf ogt, %gather3A_72, %get3A_188 : vector<16xf32>
          %jit3A_205 = arith.constant 0.000000e+00 : f32
          %broadcast_in_dim3A_206 = vector.broadcast %jit3A_205 : f32 to vector<16xf32>
          %select_n3A_207 = arith.select %gt3A_204, %get3A_194, %broadcast_in_dim3A_206 : vector<16xi1>, vector<16xf32>
          %add3A_208 = arith.addf %gather3A_75, %get3A_191 : vector<16xf32>
          %div3A_209 = arith.divf %gather3A_75, %add3A_208 : vector<16xf32>
          %mul3A_210 = arith.mulf %div3A_209, %select_n3A_207 : vector<16xf32>
          %add3A_211 = arith.addf %add3A_202, %mul3A_210 : vector<16xf32>
          %add3A_212 = arith.addf %add3A_203, %select_n3A_207 : vector<16xf32>
          %gt3A_213 = arith.cmpf ogt, %gather3A_83, %get3A_188 : vector<16xf32>
          %jit3A_214 = arith.constant 0.000000e+00 : f32
          %broadcast_in_dim3A_215 = vector.broadcast %jit3A_214 : f32 to vector<16xf32>
          %select_n3A_216 = arith.select %gt3A_213, %get3A_194, %broadcast_in_dim3A_215 : vector<16xi1>, vector<16xf32>
          %add3A_217 = arith.addf %gather3A_86, %get3A_191 : vector<16xf32>
          %div3A_218 = arith.divf %gather3A_86, %add3A_217 : vector<16xf32>
          %mul3A_219 = arith.mulf %div3A_218, %select_n3A_216 : vector<16xf32>
          %add3A_220 = arith.addf %add3A_211, %mul3A_219 : vector<16xf32>
          %add3A_221 = arith.addf %add3A_212, %select_n3A_216 : vector<16xf32>
          %gt3A_222 = arith.cmpf ogt, %gather3A_94, %get3A_188 : vector<16xf32>
          %jit3A_223 = arith.constant 0.000000e+00 : f32
          %broadcast_in_dim3A_224 = vector.broadcast %jit3A_223 : f32 to vector<16xf32>
          %select_n3A_225 = arith.select %gt3A_222, %get3A_194, %broadcast_in_dim3A_224 : vector<16xi1>, vector<16xf32>
          %add3A_226 = arith.addf %gather3A_97, %get3A_191 : vector<16xf32>
          %div3A_227 = arith.divf %gather3A_97, %add3A_226 : vector<16xf32>
          %mul3A_228 = arith.mulf %div3A_227, %select_n3A_225 : vector<16xf32>
          %add3A_229 = arith.addf %add3A_220, %mul3A_228 : vector<16xf32>
          %add3A_230 = arith.addf %add3A_221, %select_n3A_225 : vector<16xf32>
          %mul3A_231 = arith.constant 4 : i32
          %mul3A_232 = arith.muli %while3A_127, %mul3A_231 : i32
          %add3A_233 = arith.constant 2 : i32
          %add3A_234 = arith.addi %mul3A_232, %add3A_233 : i32
          %mul3A_235 = arith.constant 16 : i32
          %mul3A_236 = arith.muli %add3A_234, %mul3A_235 : i32
          %get3A_237 = arith.index_cast %mul3A_236 : i32 to index
          %get3A_238 = tpu.vector_load %arg7[%get3A_237] {strides = array<i32>} : memref<2048xf32, #tpu.memory_space<vmem>>, vector<16xf32>,
          %get3A_239 = vector.shape_cast %get3A_238 : vector<16xf32> to vector<16xf32>
          %get3A_240 = arith.index_cast %mul3A_236 : i32 to index
          %get3A_241 = tpu.vector_load %arg8[%get3A_240] {strides = array<i32>} : memref<2048xf32, #tpu.memory_space<vmem>>, vector<16xf32>,
          %get3A_242 = vector.shape_cast %get3A_241 : vector<16xf32> to vector<16xf32>
          %get3A_243 = arith.index_cast %mul3A_236 : i32 to index
          %get3A_244 = tpu.vector_load %arg9[%get3A_243] {strides = array<i32>} : memref<2048xf32, #tpu.memory_space<vmem>>, vector<16xf32>,
          %get3A_245 = vector.shape_cast %get3A_244 : vector<16xf32> to vector<16xf32>
          %gt3A_246 = arith.cmpf ogt, %gather3A_61, %get3A_239 : vector<16xf32>
          %jit3A_247 = arith.constant 0.000000e+00 : f32
          %broadcast_in_dim3A_248 = vector.broadcast %jit3A_247 : f32 to vector<16xf32>
          %select_n3A_249 = arith.select %gt3A_246, %get3A_245, %broadcast_in_dim3A_248 : vector<16xi1>, vector<16xf32>
          %add3A_250 = arith.addf %gather3A_64, %get3A_242 : vector<16xf32>
          %div3A_251 = arith.divf %gather3A_64, %add3A_250 : vector<16xf32>
          %mul3A_252 = arith.mulf %div3A_251, %select_n3A_249 : vector<16xf32>
          %add3A_253 = arith.addf %add3A_229, %mul3A_252 : vector<16xf32>
          %add3A_254 = arith.addf %add3A_230, %select_n3A_249 : vector<16xf32>
          %gt3A_255 = arith.cmpf ogt, %gather3A_72, %get3A_239 : vector<16xf32>
          %jit3A_256 = arith.constant 0.000000e+00 : f32
          %broadcast_in_dim3A_257 = vector.broadcast %jit3A_256 : f32 to vector<16xf32>
          %select_n3A_258 = arith.select %gt3A_255, %get3A_245, %broadcast_in_dim3A_257 : vector<16xi1>, vector<16xf32>
          %add3A_259 = arith.addf %gather3A_75, %get3A_242 : vector<16xf32>
          %div3A_260 = arith.divf %gather3A_75, %add3A_259 : vector<16xf32>
          %mul3A_261 = arith.mulf %div3A_260, %select_n3A_258 : vector<16xf32>
          %add3A_262 = arith.addf %add3A_253, %mul3A_261 : vector<16xf32>
          %add3A_263 = arith.addf %add3A_254, %select_n3A_258 : vector<16xf32>
          %gt3A_264 = arith.cmpf ogt, %gather3A_83, %get3A_239 : vector<16xf32>
          %jit3A_265 = arith.constant 0.000000e+00 : f32
          %broadcast_in_dim3A_266 = vector.broadcast %jit3A_265 : f32 to vector<16xf32>
          %select_n3A_267 = arith.select %gt3A_264, %get3A_245, %broadcast_in_dim3A_266 : vector<16xi1>, vector<16xf32>
          %add3A_268 = arith.addf %gather3A_86, %get3A_242 : vector<16xf32>
          %div3A_269 = arith.divf %gather3A_86, %add3A_268 : vector<16xf32>
          %mul3A_270 = arith.mulf %div3A_269, %select_n3A_267 : vector<16xf32>
          %add3A_271 = arith.addf %add3A_262, %mul3A_270 : vector<16xf32>
          %add3A_272 = arith.addf %add3A_263, %select_n3A_267 : vector<16xf32>
          %gt3A_273 = arith.cmpf ogt, %gather3A_94, %get3A_239 : vector<16xf32>
          %jit3A_274 = arith.constant 0.000000e+00 : f32
          %broadcast_in_dim3A_275 = vector.broadcast %jit3A_274 : f32 to vector<16xf32>
          %select_n3A_276 = arith.select %gt3A_273, %get3A_245, %broadcast_in_dim3A_275 : vector<16xi1>, vector<16xf32>
          %add3A_277 = arith.addf %gather3A_97, %get3A_242 : vector<16xf32>
          %div3A_278 = arith.divf %gather3A_97, %add3A_277 : vector<16xf32>
          %mul3A_279 = arith.mulf %div3A_278, %select_n3A_276 : vector<16xf32>
          %add3A_280 = arith.addf %add3A_271, %mul3A_279 : vector<16xf32>
          %add3A_281 = arith.addf %add3A_272, %select_n3A_276 : vector<16xf32>
          %mul3A_282 = arith.constant 4 : i32
          %mul3A_283 = arith.muli %while3A_127, %mul3A_282 : i32
          %add3A_284 = arith.constant 3 : i32
          %add3A_285 = arith.addi %mul3A_283, %add3A_284 : i32
          %mul3A_286 = arith.constant 16 : i32
          %mul3A_287 = arith.muli %add3A_285, %mul3A_286 : i32
          %get3A_288 = arith.index_cast %mul3A_287 : i32 to index
          %get3A_289 = tpu.vector_load %arg7[%get3A_288] {strides = array<i32>} : memref<2048xf32, #tpu.memory_space<vmem>>, vector<16xf32>,
          %get3A_290 = vector.shape_cast %get3A_289 : vector<16xf32> to vector<16xf32>
          %get3A_291 = arith.index_cast %mul3A_287 : i32 to index
          %get3A_292 = tpu.vector_load %arg8[%get3A_291] {strides = array<i32>} : memref<2048xf32, #tpu.memory_space<vmem>>, vector<16xf32>,
          %get3A_293 = vector.shape_cast %get3A_292 : vector<16xf32> to vector<16xf32>
          %get3A_294 = arith.index_cast %mul3A_287 : i32 to index
          %get3A_295 = tpu.vector_load %arg9[%get3A_294] {strides = array<i32>} : memref<2048xf32, #tpu.memory_space<vmem>>, vector<16xf32>,
          %get3A_296 = vector.shape_cast %get3A_295 : vector<16xf32> to vector<16xf32>
          %gt3A_297 = arith.cmpf ogt, %gather3A_61, %get3A_290 : vector<16xf32>
          %jit3A_298 = arith.constant 0.000000e+00 : f32
          %broadcast_in_dim3A_299 = vector.broadcast %jit3A_298 : f32 to vector<16xf32>
          %select_n3A_300 = arith.select %gt3A_297, %get3A_296, %broadcast_in_dim3A_299 : vector<16xi1>, vector<16xf32>
          %add3A_301 = arith.addf %gather3A_64, %get3A_293 : vector<16xf32>
          %div3A_302 = arith.divf %gather3A_64, %add3A_301 : vector<16xf32>
          %mul3A_303 = arith.mulf %div3A_302, %select_n3A_300 : vector<16xf32>
          %add3A_304 = arith.addf %add3A_280, %mul3A_303 : vector<16xf32>
          %add3A_305 = arith.addf %add3A_281, %select_n3A_300 : vector<16xf32>
          %gt3A_306 = arith.cmpf ogt, %gather3A_72, %get3A_290 : vector<16xf32>
          %jit3A_307 = arith.constant 0.000000e+00 : f32
          %broadcast_in_dim3A_308 = vector.broadcast %jit3A_307 : f32 to vector<16xf32>
          %select_n3A_309 = arith.select %gt3A_306, %get3A_296, %broadcast_in_dim3A_308 : vector<16xi1>, vector<16xf32>
          %add3A_310 = arith.addf %gather3A_75, %get3A_293 : vector<16xf32>
          %div3A_311 = arith.divf %gather3A_75, %add3A_310 : vector<16xf32>
          %mul3A_312 = arith.mulf %div3A_311, %select_n3A_309 : vector<16xf32>
          %add3A_313 = arith.addf %add3A_304, %mul3A_312 : vector<16xf32>
          %add3A_314 = arith.addf %add3A_305, %select_n3A_309 : vector<16xf32>
          %gt3A_315 = arith.cmpf ogt, %gather3A_83, %get3A_290 : vector<16xf32>
          %jit3A_316 = arith.constant 0.000000e+00 : f32
          %broadcast_in_dim3A_317 = vector.broadcast %jit3A_316 : f32 to vector<16xf32>
          %select_n3A_318 = arith.select %gt3A_315, %get3A_296, %broadcast_in_dim3A_317 : vector<16xi1>, vector<16xf32>
          %add3A_319 = arith.addf %gather3A_86, %get3A_293 : vector<16xf32>
          %div3A_320 = arith.divf %gather3A_86, %add3A_319 : vector<16xf32>
          %mul3A_321 = arith.mulf %div3A_320, %select_n3A_318 : vector<16xf32>
          %add3A_322 = arith.addf %add3A_313, %mul3A_321 : vector<16xf32>
          %add3A_323 = arith.addf %add3A_314, %select_n3A_318 : vector<16xf32>
          %gt3A_324 = arith.cmpf ogt, %gather3A_94, %get3A_290 : vector<16xf32>
          %jit3A_325 = arith.constant 0.000000e+00 : f32
          %broadcast_in_dim3A_326 = vector.broadcast %jit3A_325 : f32 to vector<16xf32>
          %select_n3A_327 = arith.select %gt3A_324, %get3A_296, %broadcast_in_dim3A_326 : vector<16xi1>, vector<16xf32>
          %add3A_328 = arith.addf %gather3A_97, %get3A_293 : vector<16xf32>
          %div3A_329 = arith.divf %gather3A_97, %add3A_328 : vector<16xf32>
          %mul3A_330 = arith.mulf %div3A_329, %select_n3A_327 : vector<16xf32>
          %add3A_331 = arith.addf %add3A_322, %mul3A_330 : vector<16xf32>
          %add3A_332 = arith.addf %add3A_323, %select_n3A_327 : vector<16xf32>
          scf.yield %add3A_331, %add3A_332 : vector<16xf32>, vector<16xf32>
        }
        scf.yield %while3A_126#0, %while3A_126#1 : vector<16xf32>, vector<16xf32>
      }
      %scan3A_51 = arith.constant 4 : i32
      scf.yield %scan3A_50#0, %scan3A_50#1 : vector<16xf32>, vector<16xf32>
    }
    %while3A_27 = arith.constant 1 : i32
    %while3A_28:2 = scf.for %while3A_36 = %while3A_24 to %while3A_20 step %while3A_27 iter_args(%while3A_37 = %while3A_26#0, %while3A_38 = %while3A_26#1) -> (vector<16xf32>, vector<16xf32>)  : i32 {
      %mul3A_39 = arith.constant 16 : i32
      %mul3A_40 = arith.muli %while3A_36, %mul3A_39 : i32
      %get3A_41 = arith.index_cast %mul3A_40 : i32 to index
      %get3A_42 = tpu.vector_load %arg7[%get3A_41] {strides = array<i32>} : memref<2048xf32, #tpu.memory_space<vmem>>, vector<16xf32>,
      %get3A_43 = vector.shape_cast %get3A_42 : vector<16xf32> to vector<16xf32>
      %get3A_44 = arith.index_cast %mul3A_40 : i32 to index
      %get3A_45 = tpu.vector_load %arg8[%get3A_44] {strides = array<i32>} : memref<2048xf32, #tpu.memory_space<vmem>>, vector<16xf32>,
      %get3A_46 = vector.shape_cast %get3A_45 : vector<16xf32> to vector<16xf32>
      %scan3A = arith.constant 0 : i32
      %scan3A_47 = arith.constant 4 : i32
      %scan3A_48 = arith.addi %scan3A, %scan3A_47 : i32
      %scan3A_49 = arith.constant 1 : i32
      %scan3A_50:2 = scf.for %scan3A_52 = %scan3A to %scan3A_48 step %scan3A_49 iter_args(%scan3A_53 = %while3A_37, %scan3A_54 = %while3A_38) -> (vector<16xf32>, vector<16xf32>)  : i32 {
        %mul3A_55 = arith.constant 4 : i32
        %mul3A_56 = arith.muli %scan3A_52, %mul3A_55 : i32
        %add3A_57 = arith.constant 0 : i32
        %add3A_58 = arith.addi %mul3A_56, %add3A_57 : i32
        %broadcast_in_dim3A_59 = vector.broadcast %add3A_58 : i32 to vector<16xi32>
        %broadcast_in_dim3A_60 = vector.shape_cast %broadcast_in_dim3A_59 : vector<16xi32> to vector<16x1xi32>
        %gather3A = vector.shape_cast %broadcast_in_dim3A_60 : vector<16x1xi32> to vector<16xi32>
        %gather3A_61 = tpu.dynamic_gather %get3A_43[%gather3A] in [0] : vector<16xf32>, vector<16xi32> -> vector<16xf32>
        %broadcast_in_dim3A_62 = vector.shape_cast %broadcast_in_dim3A_59 : vector<16xi32> to vector<16x1xi32>
        %gather3A_63 = vector.shape_cast %broadcast_in_dim3A_62 : vector<16x1xi32> to vector<16xi32>
        %gather3A_64 = tpu.dynamic_gather %get3A_46[%gather3A_63] in [0] : vector<16xf32>, vector<16xi32> -> vector<16xf32>
        %mul3A_65 = arith.constant 4 : i32
        %mul3A_66 = arith.muli %scan3A_52, %mul3A_65 : i32
        %add3A_67 = arith.constant 1 : i32
        %add3A_68 = arith.addi %mul3A_66, %add3A_67 : i32
        %broadcast_in_dim3A_69 = vector.broadcast %add3A_68 : i32 to vector<16xi32>
        %broadcast_in_dim3A_70 = vector.shape_cast %broadcast_in_dim3A_69 : vector<16xi32> to vector<16x1xi32>
        %gather3A_71 = vector.shape_cast %broadcast_in_dim3A_70 : vector<16x1xi32> to vector<16xi32>
        %gather3A_72 = tpu.dynamic_gather %get3A_43[%gather3A_71] in [0] : vector<16xf32>, vector<16xi32> -> vector<16xf32>
        %broadcast_in_dim3A_73 = vector.shape_cast %broadcast_in_dim3A_69 : vector<16xi32> to vector<16x1xi32>
        %gather3A_74 = vector.shape_cast %broadcast_in_dim3A_73 : vector<16x1xi32> to vector<16xi32>
        %gather3A_75 = tpu.dynamic_gather %get3A_46[%gather3A_74] in [0] : vector<16xf32>, vector<16xi32> -> vector<16xf32>
        %mul3A_76 = arith.constant 4 : i32
        %mul3A_77 = arith.muli %scan3A_52, %mul3A_76 : i32
        %add3A_78 = arith.constant 2 : i32
        %add3A_79 = arith.addi %mul3A_77, %add3A_78 : i32
        %broadcast_in_dim3A_80 = vector.broadcast %add3A_79 : i32 to vector<16xi32>
        %broadcast_in_dim3A_81 = vector.shape_cast %broadcast_in_dim3A_80 : vector<16xi32> to vector<16x1xi32>
        %gather3A_82 = vector.shape_cast %broadcast_in_dim3A_81 : vector<16x1xi32> to vector<16xi32>
        %gather3A_83 = tpu.dynamic_gather %get3A_43[%gather3A_82] in [0] : vector<16xf32>, vector<16xi32> -> vector<16xf32>
        %broadcast_in_dim3A_84 = vector.shape_cast %broadcast_in_dim3A_80 : vector<16xi32> to vector<16x1xi32>
        %gather3A_85 = vector.shape_cast %broadcast_in_dim3A_84 : vector<16x1xi32> to vector<16xi32>
        %gather3A_86 = tpu.dynamic_gather %get3A_46[%gather3A_85] in [0] : vector<16xf32>, vector<16xi32> -> vector<16xf32>
        %mul3A_87 = arith.constant 4 : i32
        %mul3A_88 = arith.muli %scan3A_52, %mul3A_87 : i32
        %add3A_89 = arith.constant 3 : i32
        %add3A_90 = arith.addi %mul3A_88, %add3A_89 : i32
        %broadcast_in_dim3A_91 = vector.broadcast %add3A_90 : i32 to vector<16xi32>
        %broadcast_in_dim3A_92 = vector.shape_cast %broadcast_in_dim3A_91 : vector<16xi32> to vector<16x1xi32>
        %gather3A_93 = vector.shape_cast %broadcast_in_dim3A_92 : vector<16x1xi32> to vector<16xi32>
        %gather3A_94 = tpu.dynamic_gather %get3A_43[%gather3A_93] in [0] : vector<16xf32>, vector<16xi32> -> vector<16xf32>
        %broadcast_in_dim3A_95 = vector.shape_cast %broadcast_in_dim3A_91 : vector<16xi32> to vector<16x1xi32>
        %gather3A_96 = vector.shape_cast %broadcast_in_dim3A_95 : vector<16x1xi32> to vector<16xi32>
        %gather3A_97 = tpu.dynamic_gather %get3A_46[%gather3A_96] in [0] : vector<16xf32>, vector<16xi32> -> vector<16xf32>
        %add3A_98 = arith.constant 4 : i32
        %add3A_99 = arith.addi %while3A_36, %add3A_98 : i32
        %jit3A = arith.constant 4 : i32
        %div3A = arith.divsi %add3A_99, %jit3A : i32
        %sign3A = arith.constant 0 : i32
        %sign3A_100 = arith.cmpi sgt, %add3A_99, %sign3A : i32
        %sign3A_101 = arith.extui %sign3A_100 : i1 to i32
        %sign3A_102 = arith.constant 0 : i32
        %sign3A_103 = arith.cmpi slt, %add3A_99, %sign3A_102 : i32
        %sign3A_104 = arith.extui %sign3A_103 : i1 to i32
        %sign3A_105 = arith.subi %sign3A_101, %sign3A_104 : i32
        %sign3A_106 = arith.constant 0 : i32
        %sign3A_107 = arith.cmpi sgt, %jit3A, %sign3A_106 : i32
        %sign3A_108 = arith.extui %sign3A_107 : i1 to i32
        %sign3A_109 = arith.constant 0 : i32
        %sign3A_110 = arith.cmpi slt, %jit3A, %sign3A_109 : i32
        %sign3A_111 = arith.extui %sign3A_110 : i1 to i32
        %sign3A_112 = arith.subi %sign3A_108, %sign3A_111 : i32
        %ne3A = arith.cmpi ne, %sign3A_105, %sign3A_112 : i32
        %rem3A = arith.remsi %add3A_99, %jit3A : i32
        %ne3A_113 = arith.constant 0 : i32
        %ne3A_114 = arith.cmpi ne, %rem3A, %ne3A_113 : i32
        %and3A = arith.andi %ne3A, %ne3A_114 : i1
        %sub3A = arith.constant 1 : i32
        %sub3A_115 = arith.subi %div3A, %sub3A : i32
        %select_n3A = arith.select %and3A, %sub3A_115, %div3A : i32
        %while3A_116 = arith.constant 0 : i32
        %while3A_117 = arith.subi %select_n3A, %while3A_116 : i32
        %while3A_118 = arith.addi %while3A_116, %while3A_117 : i32
        %while3A_119 = arith.constant 1 : i32
        %while3A_120 = arith.divsi %while3A_117, %while3A_119 : i32
        %while3A_121 = arith.muli %while3A_120, %while3A_119 : i32
        %while3A_122 = arith.addi %while3A_116, %while3A_121 : i32
        %while3A_123 = arith.constant 1 : i32
        %while3A_124:2 = scf.for %while3A_127 = %while3A_116 to %while3A_122 step %while3A_123 iter_args(%while3A_128 = %scan3A_53, %while3A_129 = %scan3A_54) -> (vector<16xf32>, vector<16xf32>)  : i32 {
          %mul3A_130 = arith.constant 4 : i32
          %mul3A_131 = arith.muli %while3A_127, %mul3A_130 : i32
          %add3A_132 = arith.constant 0 : i32
          %add3A_133 = arith.addi %mul3A_131, %add3A_132 : i32
          %mul3A_134 = arith.constant 16 : i32
          %mul3A_135 = arith.muli %add3A_133, %mul3A_134 : i32
          %get3A_136 = arith.index_cast %mul3A_135 : i32 to index
          %get3A_137 = tpu.vector_load %arg7[%get3A_136] {strides = array<i32>} : memref<2048xf32, #tpu.memory_space<vmem>>, vector<16xf32>,
          %get3A_138 = vector.shape_cast %get3A_137 : vector<16xf32> to vector<16xf32>
          %get3A_139 = arith.index_cast %mul3A_135 : i32 to index
          %get3A_140 = tpu.vector_load %arg8[%get3A_139] {strides = array<i32>} : memref<2048xf32, #tpu.memory_space<vmem>>, vector<16xf32>,
          %get3A_141 = vector.shape_cast %get3A_140 : vector<16xf32> to vector<16xf32>
          %get3A_142 = arith.index_cast %mul3A_135 : i32 to index
          %get3A_143 = tpu.vector_load %arg9[%get3A_142] {strides = array<i32>} : memref<2048xf32, #tpu.memory_space<vmem>>, vector<16xf32>,
          %get3A_144 = vector.shape_cast %get3A_143 : vector<16xf32> to vector<16xf32>
          %gt3A = arith.cmpf ogt, %gather3A_61, %get3A_138 : vector<16xf32>
          %jit3A_145 = arith.constant 0.000000e+00 : f32
          %broadcast_in_dim3A_146 = vector.broadcast %jit3A_145 : f32 to vector<16xf32>
          %select_n3A_147 = arith.select %gt3A, %get3A_144, %broadcast_in_dim3A_146 : vector<16xi1>, vector<16xf32>
          %add3A_148 = arith.addf %gather3A_64, %get3A_141 : vector<16xf32>
          %div3A_149 = arith.divf %gather3A_64, %add3A_148 : vector<16xf32>
          %mul3A_150 = arith.mulf %div3A_149, %select_n3A_147 : vector<16xf32>
          %add3A_151 = arith.addf %while3A_128, %mul3A_150 : vector<16xf32>
          %add3A_152 = arith.addf %while3A_129, %select_n3A_147 : vector<16xf32>
          %gt3A_153 = arith.cmpf ogt, %gather3A_72, %get3A_138 : vector<16xf32>
          %jit3A_154 = arith.constant 0.000000e+00 : f32
          %broadcast_in_dim3A_155 = vector.broadcast %jit3A_154 : f32 to vector<16xf32>
          %select_n3A_156 = arith.select %gt3A_153, %get3A_144, %broadcast_in_dim3A_155 : vector<16xi1>, vector<16xf32>
          %add3A_157 = arith.addf %gather3A_75, %get3A_141 : vector<16xf32>
          %div3A_158 = arith.divf %gather3A_75, %add3A_157 : vector<16xf32>
          %mul3A_159 = arith.mulf %div3A_158, %select_n3A_156 : vector<16xf32>
          %add3A_160 = arith.addf %add3A_151, %mul3A_159 : vector<16xf32>
          %add3A_161 = arith.addf %add3A_152, %select_n3A_156 : vector<16xf32>
          %gt3A_162 = arith.cmpf ogt, %gather3A_83, %get3A_138 : vector<16xf32>
          %jit3A_163 = arith.constant 0.000000e+00 : f32
          %broadcast_in_dim3A_164 = vector.broadcast %jit3A_163 : f32 to vector<16xf32>
          %select_n3A_165 = arith.select %gt3A_162, %get3A_144, %broadcast_in_dim3A_164 : vector<16xi1>, vector<16xf32>
          %add3A_166 = arith.addf %gather3A_86, %get3A_141 : vector<16xf32>
          %div3A_167 = arith.divf %gather3A_86, %add3A_166 : vector<16xf32>
          %mul3A_168 = arith.mulf %div3A_167, %select_n3A_165 : vector<16xf32>
          %add3A_169 = arith.addf %add3A_160, %mul3A_168 : vector<16xf32>
          %add3A_170 = arith.addf %add3A_161, %select_n3A_165 : vector<16xf32>
          %gt3A_171 = arith.cmpf ogt, %gather3A_94, %get3A_138 : vector<16xf32>
          %jit3A_172 = arith.constant 0.000000e+00 : f32
          %broadcast_in_dim3A_173 = vector.broadcast %jit3A_172 : f32 to vector<16xf32>
          %select_n3A_174 = arith.select %gt3A_171, %get3A_144, %broadcast_in_dim3A_173 : vector<16xi1>, vector<16xf32>
          %add3A_175 = arith.addf %gather3A_97, %get3A_141 : vector<16xf32>
          %div3A_176 = arith.divf %gather3A_97, %add3A_175 : vector<16xf32>
          %mul3A_177 = arith.mulf %div3A_176, %select_n3A_174 : vector<16xf32>
          %add3A_178 = arith.addf %add3A_169, %mul3A_177 : vector<16xf32>
          %add3A_179 = arith.addf %add3A_170, %select_n3A_174 : vector<16xf32>
          %mul3A_180 = arith.constant 4 : i32
          %mul3A_181 = arith.muli %while3A_127, %mul3A_180 : i32
          %add3A_182 = arith.constant 1 : i32
          %add3A_183 = arith.addi %mul3A_181, %add3A_182 : i32
          %mul3A_184 = arith.constant 16 : i32
          %mul3A_185 = arith.muli %add3A_183, %mul3A_184 : i32
          %get3A_186 = arith.index_cast %mul3A_185 : i32 to index
          %get3A_187 = tpu.vector_load %arg7[%get3A_186] {strides = array<i32>} : memref<2048xf32, #tpu.memory_space<vmem>>, vector<16xf32>,
          %get3A_188 = vector.shape_cast %get3A_187 : vector<16xf32> to vector<16xf32>
          %get3A_189 = arith.index_cast %mul3A_185 : i32 to index
          %get3A_190 = tpu.vector_load %arg8[%get3A_189] {strides = array<i32>} : memref<2048xf32, #tpu.memory_space<vmem>>, vector<16xf32>,
          %get3A_191 = vector.shape_cast %get3A_190 : vector<16xf32> to vector<16xf32>
          %get3A_192 = arith.index_cast %mul3A_185 : i32 to index
          %get3A_193 = tpu.vector_load %arg9[%get3A_192] {strides = array<i32>} : memref<2048xf32, #tpu.memory_space<vmem>>, vector<16xf32>,
          %get3A_194 = vector.shape_cast %get3A_193 : vector<16xf32> to vector<16xf32>
          %gt3A_195 = arith.cmpf ogt, %gather3A_61, %get3A_188 : vector<16xf32>
          %jit3A_196 = arith.constant 0.000000e+00 : f32
          %broadcast_in_dim3A_197 = vector.broadcast %jit3A_196 : f32 to vector<16xf32>
          %select_n3A_198 = arith.select %gt3A_195, %get3A_194, %broadcast_in_dim3A_197 : vector<16xi1>, vector<16xf32>
          %add3A_199 = arith.addf %gather3A_64, %get3A_191 : vector<16xf32>
          %div3A_200 = arith.divf %gather3A_64, %add3A_199 : vector<16xf32>
          %mul3A_201 = arith.mulf %div3A_200, %select_n3A_198 : vector<16xf32>
          %add3A_202 = arith.addf %add3A_178, %mul3A_201 : vector<16xf32>
          %add3A_203 = arith.addf %add3A_179, %select_n3A_198 : vector<16xf32>
          %gt3A_204 = arith.cmpf ogt, %gather3A_72, %get3A_188 : vector<16xf32>
          %jit3A_205 = arith.constant 0.000000e+00 : f32
          %broadcast_in_dim3A_206 = vector.broadcast %jit3A_205 : f32 to vector<16xf32>
          %select_n3A_207 = arith.select %gt3A_204, %get3A_194, %broadcast_in_dim3A_206 : vector<16xi1>, vector<16xf32>
          %add3A_208 = arith.addf %gather3A_75, %get3A_191 : vector<16xf32>
          %div3A_209 = arith.divf %gather3A_75, %add3A_208 : vector<16xf32>
          %mul3A_210 = arith.mulf %div3A_209, %select_n3A_207 : vector<16xf32>
          %add3A_211 = arith.addf %add3A_202, %mul3A_210 : vector<16xf32>
          %add3A_212 = arith.addf %add3A_203, %select_n3A_207 : vector<16xf32>
          %gt3A_213 = arith.cmpf ogt, %gather3A_83, %get3A_188 : vector<16xf32>
          %jit3A_214 = arith.constant 0.000000e+00 : f32
          %broadcast_in_dim3A_215 = vector.broadcast %jit3A_214 : f32 to vector<16xf32>
          %select_n3A_216 = arith.select %gt3A_213, %get3A_194, %broadcast_in_dim3A_215 : vector<16xi1>, vector<16xf32>
          %add3A_217 = arith.addf %gather3A_86, %get3A_191 : vector<16xf32>
          %div3A_218 = arith.divf %gather3A_86, %add3A_217 : vector<16xf32>
          %mul3A_219 = arith.mulf %div3A_218, %select_n3A_216 : vector<16xf32>
          %add3A_220 = arith.addf %add3A_211, %mul3A_219 : vector<16xf32>
          %add3A_221 = arith.addf %add3A_212, %select_n3A_216 : vector<16xf32>
          %gt3A_222 = arith.cmpf ogt, %gather3A_94, %get3A_188 : vector<16xf32>
          %jit3A_223 = arith.constant 0.000000e+00 : f32
          %broadcast_in_dim3A_224 = vector.broadcast %jit3A_223 : f32 to vector<16xf32>
          %select_n3A_225 = arith.select %gt3A_222, %get3A_194, %broadcast_in_dim3A_224 : vector<16xi1>, vector<16xf32>
          %add3A_226 = arith.addf %gather3A_97, %get3A_191 : vector<16xf32>
          %div3A_227 = arith.divf %gather3A_97, %add3A_226 : vector<16xf32>
          %mul3A_228 = arith.mulf %div3A_227, %select_n3A_225 : vector<16xf32>
          %add3A_229 = arith.addf %add3A_220, %mul3A_228 : vector<16xf32>
          %add3A_230 = arith.addf %add3A_221, %select_n3A_225 : vector<16xf32>
          %mul3A_231 = arith.constant 4 : i32
          %mul3A_232 = arith.muli %while3A_127, %mul3A_231 : i32
          %add3A_233 = arith.constant 2 : i32
          %add3A_234 = arith.addi %mul3A_232, %add3A_233 : i32
          %mul3A_235 = arith.constant 16 : i32
          %mul3A_236 = arith.muli %add3A_234, %mul3A_235 : i32
          %get3A_237 = arith.index_cast %mul3A_236 : i32 to index
          %get3A_238 = tpu.vector_load %arg7[%get3A_237] {strides = array<i32>} : memref<2048xf32, #tpu.memory_space<vmem>>, vector<16xf32>,
          %get3A_239 = vector.shape_cast %get3A_238 : vector<16xf32> to vector<16xf32>
          %get3A_240 = arith.index_cast %mul3A_236 : i32 to index
          %get3A_241 = tpu.vector_load %arg8[%get3A_240] {strides = array<i32>} : memref<2048xf32, #tpu.memory_space<vmem>>, vector<16xf32>,
          %get3A_242 = vector.shape_cast %get3A_241 : vector<16xf32> to vector<16xf32>
          %get3A_243 = arith.index_cast %mul3A_236 : i32 to index
          %get3A_244 = tpu.vector_load %arg9[%get3A_243] {strides = array<i32>} : memref<2048xf32, #tpu.memory_space<vmem>>, vector<16xf32>,
          %get3A_245 = vector.shape_cast %get3A_244 : vector<16xf32> to vector<16xf32>
          %gt3A_246 = arith.cmpf ogt, %gather3A_61, %get3A_239 : vector<16xf32>
          %jit3A_247 = arith.constant 0.000000e+00 : f32
          %broadcast_in_dim3A_248 = vector.broadcast %jit3A_247 : f32 to vector<16xf32>
          %select_n3A_249 = arith.select %gt3A_246, %get3A_245, %broadcast_in_dim3A_248 : vector<16xi1>, vector<16xf32>
          %add3A_250 = arith.addf %gather3A_64, %get3A_242 : vector<16xf32>
          %div3A_251 = arith.divf %gather3A_64, %add3A_250 : vector<16xf32>
          %mul3A_252 = arith.mulf %div3A_251, %select_n3A_249 : vector<16xf32>
          %add3A_253 = arith.addf %add3A_229, %mul3A_252 : vector<16xf32>
          %add3A_254 = arith.addf %add3A_230, %select_n3A_249 : vector<16xf32>
          %gt3A_255 = arith.cmpf ogt, %gather3A_72, %get3A_239 : vector<16xf32>
          %jit3A_256 = arith.constant 0.000000e+00 : f32
          %broadcast_in_dim3A_257 = vector.broadcast %jit3A_256 : f32 to vector<16xf32>
          %select_n3A_258 = arith.select %gt3A_255, %get3A_245, %broadcast_in_dim3A_257 : vector<16xi1>, vector<16xf32>
          %add3A_259 = arith.addf %gather3A_75, %get3A_242 : vector<16xf32>
          %div3A_260 = arith.divf %gather3A_75, %add3A_259 : vector<16xf32>
          %mul3A_261 = arith.mulf %div3A_260, %select_n3A_258 : vector<16xf32>
          %add3A_262 = arith.addf %add3A_253, %mul3A_261 : vector<16xf32>
          %add3A_263 = arith.addf %add3A_254, %select_n3A_258 : vector<16xf32>
          %gt3A_264 = arith.cmpf ogt, %gather3A_83, %get3A_239 : vector<16xf32>
          %jit3A_265 = arith.constant 0.000000e+00 : f32
          %broadcast_in_dim3A_266 = vector.broadcast %jit3A_265 : f32 to vector<16xf32>
          %select_n3A_267 = arith.select %gt3A_264, %get3A_245, %broadcast_in_dim3A_266 : vector<16xi1>, vector<16xf32>
          %add3A_268 = arith.addf %gather3A_86, %get3A_242 : vector<16xf32>
          %div3A_269 = arith.divf %gather3A_86, %add3A_268 : vector<16xf32>
          %mul3A_270 = arith.mulf %div3A_269, %select_n3A_267 : vector<16xf32>
          %add3A_271 = arith.addf %add3A_262, %mul3A_270 : vector<16xf32>
          %add3A_272 = arith.addf %add3A_263, %select_n3A_267 : vector<16xf32>
          %gt3A_273 = arith.cmpf ogt, %gather3A_94, %get3A_239 : vector<16xf32>
          %jit3A_274 = arith.constant 0.000000e+00 : f32
          %broadcast_in_dim3A_275 = vector.broadcast %jit3A_274 : f32 to vector<16xf32>
          %select_n3A_276 = arith.select %gt3A_273, %get3A_245, %broadcast_in_dim3A_275 : vector<16xi1>, vector<16xf32>
          %add3A_277 = arith.addf %gather3A_97, %get3A_242 : vector<16xf32>
          %div3A_278 = arith.divf %gather3A_97, %add3A_277 : vector<16xf32>
          %mul3A_279 = arith.mulf %div3A_278, %select_n3A_276 : vector<16xf32>
          %add3A_280 = arith.addf %add3A_271, %mul3A_279 : vector<16xf32>
          %add3A_281 = arith.addf %add3A_272, %select_n3A_276 : vector<16xf32>
          %mul3A_282 = arith.constant 4 : i32
          %mul3A_283 = arith.muli %while3A_127, %mul3A_282 : i32
          %add3A_284 = arith.constant 3 : i32
          %add3A_285 = arith.addi %mul3A_283, %add3A_284 : i32
          %mul3A_286 = arith.constant 16 : i32
          %mul3A_287 = arith.muli %add3A_285, %mul3A_286 : i32
          %get3A_288 = arith.index_cast %mul3A_287 : i32 to index
          %get3A_289 = tpu.vector_load %arg7[%get3A_288] {strides = array<i32>} : memref<2048xf32, #tpu.memory_space<vmem>>, vector<16xf32>,
          %get3A_290 = vector.shape_cast %get3A_289 : vector<16xf32> to vector<16xf32>
          %get3A_291 = arith.index_cast %mul3A_287 : i32 to index
          %get3A_292 = tpu.vector_load %arg8[%get3A_291] {strides = array<i32>} : memref<2048xf32, #tpu.memory_space<vmem>>, vector<16xf32>,
          %get3A_293 = vector.shape_cast %get3A_292 : vector<16xf32> to vector<16xf32>
          %get3A_294 = arith.index_cast %mul3A_287 : i32 to index
          %get3A_295 = tpu.vector_load %arg9[%get3A_294] {strides = array<i32>} : memref<2048xf32, #tpu.memory_space<vmem>>, vector<16xf32>,
          %get3A_296 = vector.shape_cast %get3A_295 : vector<16xf32> to vector<16xf32>
          %gt3A_297 = arith.cmpf ogt, %gather3A_61, %get3A_290 : vector<16xf32>
          %jit3A_298 = arith.constant 0.000000e+00 : f32
          %broadcast_in_dim3A_299 = vector.broadcast %jit3A_298 : f32 to vector<16xf32>
          %select_n3A_300 = arith.select %gt3A_297, %get3A_296, %broadcast_in_dim3A_299 : vector<16xi1>, vector<16xf32>
          %add3A_301 = arith.addf %gather3A_64, %get3A_293 : vector<16xf32>
          %div3A_302 = arith.divf %gather3A_64, %add3A_301 : vector<16xf32>
          %mul3A_303 = arith.mulf %div3A_302, %select_n3A_300 : vector<16xf32>
          %add3A_304 = arith.addf %add3A_280, %mul3A_303 : vector<16xf32>
          %add3A_305 = arith.addf %add3A_281, %select_n3A_300 : vector<16xf32>
          %gt3A_306 = arith.cmpf ogt, %gather3A_72, %get3A_290 : vector<16xf32>
          %jit3A_307 = arith.constant 0.000000e+00 : f32
          %broadcast_in_dim3A_308 = vector.broadcast %jit3A_307 : f32 to vector<16xf32>
          %select_n3A_309 = arith.select %gt3A_306, %get3A_296, %broadcast_in_dim3A_308 : vector<16xi1>, vector<16xf32>
          %add3A_310 = arith.addf %gather3A_75, %get3A_293 : vector<16xf32>
          %div3A_311 = arith.divf %gather3A_75, %add3A_310 : vector<16xf32>
          %mul3A_312 = arith.mulf %div3A_311, %select_n3A_309 : vector<16xf32>
          %add3A_313 = arith.addf %add3A_304, %mul3A_312 : vector<16xf32>
          %add3A_314 = arith.addf %add3A_305, %select_n3A_309 : vector<16xf32>
          %gt3A_315 = arith.cmpf ogt, %gather3A_83, %get3A_290 : vector<16xf32>
          %jit3A_316 = arith.constant 0.000000e+00 : f32
          %broadcast_in_dim3A_317 = vector.broadcast %jit3A_316 : f32 to vector<16xf32>
          %select_n3A_318 = arith.select %gt3A_315, %get3A_296, %broadcast_in_dim3A_317 : vector<16xi1>, vector<16xf32>
          %add3A_319 = arith.addf %gather3A_86, %get3A_293 : vector<16xf32>
          %div3A_320 = arith.divf %gather3A_86, %add3A_319 : vector<16xf32>
          %mul3A_321 = arith.mulf %div3A_320, %select_n3A_318 : vector<16xf32>
          %add3A_322 = arith.addf %add3A_313, %mul3A_321 : vector<16xf32>
          %add3A_323 = arith.addf %add3A_314, %select_n3A_318 : vector<16xf32>
          %gt3A_324 = arith.cmpf ogt, %gather3A_94, %get3A_290 : vector<16xf32>
          %jit3A_325 = arith.constant 0.000000e+00 : f32
          %broadcast_in_dim3A_326 = vector.broadcast %jit3A_325 : f32 to vector<16xf32>
          %select_n3A_327 = arith.select %gt3A_324, %get3A_296, %broadcast_in_dim3A_326 : vector<16xi1>, vector<16xf32>
          %add3A_328 = arith.addf %gather3A_97, %get3A_293 : vector<16xf32>
          %div3A_329 = arith.divf %gather3A_97, %add3A_328 : vector<16xf32>
          %mul3A_330 = arith.mulf %div3A_329, %select_n3A_327 : vector<16xf32>
          %add3A_331 = arith.addf %add3A_322, %mul3A_330 : vector<16xf32>
          %add3A_332 = arith.addf %add3A_323, %select_n3A_327 : vector<16xf32>
          scf.yield %add3A_331, %add3A_332 : vector<16xf32>, vector<16xf32>
        }
        %while3A_125 = arith.constant 1 : i32
        %while3A_126:2 = scf.for %while3A_127 = %while3A_122 to %while3A_118 step %while3A_125 iter_args(%while3A_128 = %while3A_124#0, %while3A_129 = %while3A_124#1) -> (vector<16xf32>, vector<16xf32>)  : i32 {
          %mul3A_130 = arith.constant 4 : i32
          %mul3A_131 = arith.muli %while3A_127, %mul3A_130 : i32
          %add3A_132 = arith.constant 0 : i32
          %add3A_133 = arith.addi %mul3A_131, %add3A_132 : i32
          %mul3A_134 = arith.constant 16 : i32
          %mul3A_135 = arith.muli %add3A_133, %mul3A_134 : i32
          %get3A_136 = arith.index_cast %mul3A_135 : i32 to index
          %get3A_137 = tpu.vector_load %arg7[%get3A_136] {strides = array<i32>} : memref<2048xf32, #tpu.memory_space<vmem>>, vector<16xf32>,
          %get3A_138 = vector.shape_cast %get3A_137 : vector<16xf32> to vector<16xf32>
          %get3A_139 = arith.index_cast %mul3A_135 : i32 to index
          %get3A_140 = tpu.vector_load %arg8[%get3A_139] {strides = array<i32>} : memref<2048xf32, #tpu.memory_space<vmem>>, vector<16xf32>,
          %get3A_141 = vector.shape_cast %get3A_140 : vector<16xf32> to vector<16xf32>
          %get3A_142 = arith.index_cast %mul3A_135 : i32 to index
          %get3A_143 = tpu.vector_load %arg9[%get3A_142] {strides = array<i32>} : memref<2048xf32, #tpu.memory_space<vmem>>, vector<16xf32>,
          %get3A_144 = vector.shape_cast %get3A_143 : vector<16xf32> to vector<16xf32>
          %gt3A = arith.cmpf ogt, %gather3A_61, %get3A_138 : vector<16xf32>
          %jit3A_145 = arith.constant 0.000000e+00 : f32
          %broadcast_in_dim3A_146 = vector.broadcast %jit3A_145 : f32 to vector<16xf32>
          %select_n3A_147 = arith.select %gt3A, %get3A_144, %broadcast_in_dim3A_146 : vector<16xi1>, vector<16xf32>
          %add3A_148 = arith.addf %gather3A_64, %get3A_141 : vector<16xf32>
          %div3A_149 = arith.divf %gather3A_64, %add3A_148 : vector<16xf32>
          %mul3A_150 = arith.mulf %div3A_149, %select_n3A_147 : vector<16xf32>
          %add3A_151 = arith.addf %while3A_128, %mul3A_150 : vector<16xf32>
          %add3A_152 = arith.addf %while3A_129, %select_n3A_147 : vector<16xf32>
          %gt3A_153 = arith.cmpf ogt, %gather3A_72, %get3A_138 : vector<16xf32>
          %jit3A_154 = arith.constant 0.000000e+00 : f32
          %broadcast_in_dim3A_155 = vector.broadcast %jit3A_154 : f32 to vector<16xf32>
          %select_n3A_156 = arith.select %gt3A_153, %get3A_144, %broadcast_in_dim3A_155 : vector<16xi1>, vector<16xf32>
          %add3A_157 = arith.addf %gather3A_75, %get3A_141 : vector<16xf32>
          %div3A_158 = arith.divf %gather3A_75, %add3A_157 : vector<16xf32>
          %mul3A_159 = arith.mulf %div3A_158, %select_n3A_156 : vector<16xf32>
          %add3A_160 = arith.addf %add3A_151, %mul3A_159 : vector<16xf32>
          %add3A_161 = arith.addf %add3A_152, %select_n3A_156 : vector<16xf32>
          %gt3A_162 = arith.cmpf ogt, %gather3A_83, %get3A_138 : vector<16xf32>
          %jit3A_163 = arith.constant 0.000000e+00 : f32
          %broadcast_in_dim3A_164 = vector.broadcast %jit3A_163 : f32 to vector<16xf32>
          %select_n3A_165 = arith.select %gt3A_162, %get3A_144, %broadcast_in_dim3A_164 : vector<16xi1>, vector<16xf32>
          %add3A_166 = arith.addf %gather3A_86, %get3A_141 : vector<16xf32>
          %div3A_167 = arith.divf %gather3A_86, %add3A_166 : vector<16xf32>
          %mul3A_168 = arith.mulf %div3A_167, %select_n3A_165 : vector<16xf32>
          %add3A_169 = arith.addf %add3A_160, %mul3A_168 : vector<16xf32>
          %add3A_170 = arith.addf %add3A_161, %select_n3A_165 : vector<16xf32>
          %gt3A_171 = arith.cmpf ogt, %gather3A_94, %get3A_138 : vector<16xf32>
          %jit3A_172 = arith.constant 0.000000e+00 : f32
          %broadcast_in_dim3A_173 = vector.broadcast %jit3A_172 : f32 to vector<16xf32>
          %select_n3A_174 = arith.select %gt3A_171, %get3A_144, %broadcast_in_dim3A_173 : vector<16xi1>, vector<16xf32>
          %add3A_175 = arith.addf %gather3A_97, %get3A_141 : vector<16xf32>
          %div3A_176 = arith.divf %gather3A_97, %add3A_175 : vector<16xf32>
          %mul3A_177 = arith.mulf %div3A_176, %select_n3A_174 : vector<16xf32>
          %add3A_178 = arith.addf %add3A_169, %mul3A_177 : vector<16xf32>
          %add3A_179 = arith.addf %add3A_170, %select_n3A_174 : vector<16xf32>
          %mul3A_180 = arith.constant 4 : i32
          %mul3A_181 = arith.muli %while3A_127, %mul3A_180 : i32
          %add3A_182 = arith.constant 1 : i32
          %add3A_183 = arith.addi %mul3A_181, %add3A_182 : i32
          %mul3A_184 = arith.constant 16 : i32
          %mul3A_185 = arith.muli %add3A_183, %mul3A_184 : i32
          %get3A_186 = arith.index_cast %mul3A_185 : i32 to index
          %get3A_187 = tpu.vector_load %arg7[%get3A_186] {strides = array<i32>} : memref<2048xf32, #tpu.memory_space<vmem>>, vector<16xf32>,
          %get3A_188 = vector.shape_cast %get3A_187 : vector<16xf32> to vector<16xf32>
          %get3A_189 = arith.index_cast %mul3A_185 : i32 to index
          %get3A_190 = tpu.vector_load %arg8[%get3A_189] {strides = array<i32>} : memref<2048xf32, #tpu.memory_space<vmem>>, vector<16xf32>,
          %get3A_191 = vector.shape_cast %get3A_190 : vector<16xf32> to vector<16xf32>
          %get3A_192 = arith.index_cast %mul3A_185 : i32 to index
          %get3A_193 = tpu.vector_load %arg9[%get3A_192] {strides = array<i32>} : memref<2048xf32, #tpu.memory_space<vmem>>, vector<16xf32>,
          %get3A_194 = vector.shape_cast %get3A_193 : vector<16xf32> to vector<16xf32>
          %gt3A_195 = arith.cmpf ogt, %gather3A_61, %get3A_188 : vector<16xf32>
          %jit3A_196 = arith.constant 0.000000e+00 : f32
          %broadcast_in_dim3A_197 = vector.broadcast %jit3A_196 : f32 to vector<16xf32>
          %select_n3A_198 = arith.select %gt3A_195, %get3A_194, %broadcast_in_dim3A_197 : vector<16xi1>, vector<16xf32>
          %add3A_199 = arith.addf %gather3A_64, %get3A_191 : vector<16xf32>
          %div3A_200 = arith.divf %gather3A_64, %add3A_199 : vector<16xf32>
          %mul3A_201 = arith.mulf %div3A_200, %select_n3A_198 : vector<16xf32>
          %add3A_202 = arith.addf %add3A_178, %mul3A_201 : vector<16xf32>
          %add3A_203 = arith.addf %add3A_179, %select_n3A_198 : vector<16xf32>
          %gt3A_204 = arith.cmpf ogt, %gather3A_72, %get3A_188 : vector<16xf32>
          %jit3A_205 = arith.constant 0.000000e+00 : f32
          %broadcast_in_dim3A_206 = vector.broadcast %jit3A_205 : f32 to vector<16xf32>
          %select_n3A_207 = arith.select %gt3A_204, %get3A_194, %broadcast_in_dim3A_206 : vector<16xi1>, vector<16xf32>
          %add3A_208 = arith.addf %gather3A_75, %get3A_191 : vector<16xf32>
          %div3A_209 = arith.divf %gather3A_75, %add3A_208 : vector<16xf32>
          %mul3A_210 = arith.mulf %div3A_209, %select_n3A_207 : vector<16xf32>
          %add3A_211 = arith.addf %add3A_202, %mul3A_210 : vector<16xf32>
          %add3A_212 = arith.addf %add3A_203, %select_n3A_207 : vector<16xf32>
          %gt3A_213 = arith.cmpf ogt, %gather3A_83, %get3A_188 : vector<16xf32>
          %jit3A_214 = arith.constant 0.000000e+00 : f32
          %broadcast_in_dim3A_215 = vector.broadcast %jit3A_214 : f32 to vector<16xf32>
          %select_n3A_216 = arith.select %gt3A_213, %get3A_194, %broadcast_in_dim3A_215 : vector<16xi1>, vector<16xf32>
          %add3A_217 = arith.addf %gather3A_86, %get3A_191 : vector<16xf32>
          %div3A_218 = arith.divf %gather3A_86, %add3A_217 : vector<16xf32>
          %mul3A_219 = arith.mulf %div3A_218, %select_n3A_216 : vector<16xf32>
          %add3A_220 = arith.addf %add3A_211, %mul3A_219 : vector<16xf32>
          %add3A_221 = arith.addf %add3A_212, %select_n3A_216 : vector<16xf32>
          %gt3A_222 = arith.cmpf ogt, %gather3A_94, %get3A_188 : vector<16xf32>
          %jit3A_223 = arith.constant 0.000000e+00 : f32
          %broadcast_in_dim3A_224 = vector.broadcast %jit3A_223 : f32 to vector<16xf32>
          %select_n3A_225 = arith.select %gt3A_222, %get3A_194, %broadcast_in_dim3A_224 : vector<16xi1>, vector<16xf32>
          %add3A_226 = arith.addf %gather3A_97, %get3A_191 : vector<16xf32>
          %div3A_227 = arith.divf %gather3A_97, %add3A_226 : vector<16xf32>
          %mul3A_228 = arith.mulf %div3A_227, %select_n3A_225 : vector<16xf32>
          %add3A_229 = arith.addf %add3A_220, %mul3A_228 : vector<16xf32>
          %add3A_230 = arith.addf %add3A_221, %select_n3A_225 : vector<16xf32>
          %mul3A_231 = arith.constant 4 : i32
          %mul3A_232 = arith.muli %while3A_127, %mul3A_231 : i32
          %add3A_233 = arith.constant 2 : i32
          %add3A_234 = arith.addi %mul3A_232, %add3A_233 : i32
          %mul3A_235 = arith.constant 16 : i32
          %mul3A_236 = arith.muli %add3A_234, %mul3A_235 : i32
          %get3A_237 = arith.index_cast %mul3A_236 : i32 to index
          %get3A_238 = tpu.vector_load %arg7[%get3A_237] {strides = array<i32>} : memref<2048xf32, #tpu.memory_space<vmem>>, vector<16xf32>,
          %get3A_239 = vector.shape_cast %get3A_238 : vector<16xf32> to vector<16xf32>
          %get3A_240 = arith.index_cast %mul3A_236 : i32 to index
          %get3A_241 = tpu.vector_load %arg8[%get3A_240] {strides = array<i32>} : memref<2048xf32, #tpu.memory_space<vmem>>, vector<16xf32>,
          %get3A_242 = vector.shape_cast %get3A_241 : vector<16xf32> to vector<16xf32>
          %get3A_243 = arith.index_cast %mul3A_236 : i32 to index
          %get3A_244 = tpu.vector_load %arg9[%get3A_243] {strides = array<i32>} : memref<2048xf32, #tpu.memory_space<vmem>>, vector<16xf32>,
          %get3A_245 = vector.shape_cast %get3A_244 : vector<16xf32> to vector<16xf32>
          %gt3A_246 = arith.cmpf ogt, %gather3A_61, %get3A_239 : vector<16xf32>
          %jit3A_247 = arith.constant 0.000000e+00 : f32
          %broadcast_in_dim3A_248 = vector.broadcast %jit3A_247 : f32 to vector<16xf32>
          %select_n3A_249 = arith.select %gt3A_246, %get3A_245, %broadcast_in_dim3A_248 : vector<16xi1>, vector<16xf32>
          %add3A_250 = arith.addf %gather3A_64, %get3A_242 : vector<16xf32>
          %div3A_251 = arith.divf %gather3A_64, %add3A_250 : vector<16xf32>
          %mul3A_252 = arith.mulf %div3A_251, %select_n3A_249 : vector<16xf32>
          %add3A_253 = arith.addf %add3A_229, %mul3A_252 : vector<16xf32>
          %add3A_254 = arith.addf %add3A_230, %select_n3A_249 : vector<16xf32>
          %gt3A_255 = arith.cmpf ogt, %gather3A_72, %get3A_239 : vector<16xf32>
          %jit3A_256 = arith.constant 0.000000e+00 : f32
          %broadcast_in_dim3A_257 = vector.broadcast %jit3A_256 : f32 to vector<16xf32>
          %select_n3A_258 = arith.select %gt3A_255, %get3A_245, %broadcast_in_dim3A_257 : vector<16xi1>, vector<16xf32>
          %add3A_259 = arith.addf %gather3A_75, %get3A_242 : vector<16xf32>
          %div3A_260 = arith.divf %gather3A_75, %add3A_259 : vector<16xf32>
          %mul3A_261 = arith.mulf %div3A_260, %select_n3A_258 : vector<16xf32>
          %add3A_262 = arith.addf %add3A_253, %mul3A_261 : vector<16xf32>
          %add3A_263 = arith.addf %add3A_254, %select_n3A_258 : vector<16xf32>
          %gt3A_264 = arith.cmpf ogt, %gather3A_83, %get3A_239 : vector<16xf32>
          %jit3A_265 = arith.constant 0.000000e+00 : f32
          %broadcast_in_dim3A_266 = vector.broadcast %jit3A_265 : f32 to vector<16xf32>
          %select_n3A_267 = arith.select %gt3A_264, %get3A_245, %broadcast_in_dim3A_266 : vector<16xi1>, vector<16xf32>
          %add3A_268 = arith.addf %gather3A_86, %get3A_242 : vector<16xf32>
          %div3A_269 = arith.divf %gather3A_86, %add3A_268 : vector<16xf32>
          %mul3A_270 = arith.mulf %div3A_269, %select_n3A_267 : vector<16xf32>
          %add3A_271 = arith.addf %add3A_262, %mul3A_270 : vector<16xf32>
          %add3A_272 = arith.addf %add3A_263, %select_n3A_267 : vector<16xf32>
          %gt3A_273 = arith.cmpf ogt, %gather3A_94, %get3A_239 : vector<16xf32>
          %jit3A_274 = arith.constant 0.000000e+00 : f32
          %broadcast_in_dim3A_275 = vector.broadcast %jit3A_274 : f32 to vector<16xf32>
          %select_n3A_276 = arith.select %gt3A_273, %get3A_245, %broadcast_in_dim3A_275 : vector<16xi1>, vector<16xf32>
          %add3A_277 = arith.addf %gather3A_97, %get3A_242 : vector<16xf32>
          %div3A_278 = arith.divf %gather3A_97, %add3A_277 : vector<16xf32>
          %mul3A_279 = arith.mulf %div3A_278, %select_n3A_276 : vector<16xf32>
          %add3A_280 = arith.addf %add3A_271, %mul3A_279 : vector<16xf32>
          %add3A_281 = arith.addf %add3A_272, %select_n3A_276 : vector<16xf32>
          %mul3A_282 = arith.constant 4 : i32
          %mul3A_283 = arith.muli %while3A_127, %mul3A_282 : i32
          %add3A_284 = arith.constant 3 : i32
          %add3A_285 = arith.addi %mul3A_283, %add3A_284 : i32
          %mul3A_286 = arith.constant 16 : i32
          %mul3A_287 = arith.muli %add3A_285, %mul3A_286 : i32
          %get3A_288 = arith.index_cast %mul3A_287 : i32 to index
          %get3A_289 = tpu.vector_load %arg7[%get3A_288] {strides = array<i32>} : memref<2048xf32, #tpu.memory_space<vmem>>, vector<16xf32>,
          %get3A_290 = vector.shape_cast %get3A_289 : vector<16xf32> to vector<16xf32>
          %get3A_291 = arith.index_cast %mul3A_287 : i32 to index
          %get3A_292 = tpu.vector_load %arg8[%get3A_291] {strides = array<i32>} : memref<2048xf32, #tpu.memory_space<vmem>>, vector<16xf32>,
          %get3A_293 = vector.shape_cast %get3A_292 : vector<16xf32> to vector<16xf32>
          %get3A_294 = arith.index_cast %mul3A_287 : i32 to index
          %get3A_295 = tpu.vector_load %arg9[%get3A_294] {strides = array<i32>} : memref<2048xf32, #tpu.memory_space<vmem>>, vector<16xf32>,
          %get3A_296 = vector.shape_cast %get3A_295 : vector<16xf32> to vector<16xf32>
          %gt3A_297 = arith.cmpf ogt, %gather3A_61, %get3A_290 : vector<16xf32>
          %jit3A_298 = arith.constant 0.000000e+00 : f32
          %broadcast_in_dim3A_299 = vector.broadcast %jit3A_298 : f32 to vector<16xf32>
          %select_n3A_300 = arith.select %gt3A_297, %get3A_296, %broadcast_in_dim3A_299 : vector<16xi1>, vector<16xf32>
          %add3A_301 = arith.addf %gather3A_64, %get3A_293 : vector<16xf32>
          %div3A_302 = arith.divf %gather3A_64, %add3A_301 : vector<16xf32>
          %mul3A_303 = arith.mulf %div3A_302, %select_n3A_300 : vector<16xf32>
          %add3A_304 = arith.addf %add3A_280, %mul3A_303 : vector<16xf32>
          %add3A_305 = arith.addf %add3A_281, %select_n3A_300 : vector<16xf32>
          %gt3A_306 = arith.cmpf ogt, %gather3A_72, %get3A_290 : vector<16xf32>
          %jit3A_307 = arith.constant 0.000000e+00 : f32
          %broadcast_in_dim3A_308 = vector.broadcast %jit3A_307 : f32 to vector<16xf32>
          %select_n3A_309 = arith.select %gt3A_306, %get3A_296, %broadcast_in_dim3A_308 : vector<16xi1>, vector<16xf32>
          %add3A_310 = arith.addf %gather3A_75, %get3A_293 : vector<16xf32>
          %div3A_311 = arith.divf %gather3A_75, %add3A_310 : vector<16xf32>
          %mul3A_312 = arith.mulf %div3A_311, %select_n3A_309 : vector<16xf32>
          %add3A_313 = arith.addf %add3A_304, %mul3A_312 : vector<16xf32>
          %add3A_314 = arith.addf %add3A_305, %select_n3A_309 : vector<16xf32>
          %gt3A_315 = arith.cmpf ogt, %gather3A_83, %get3A_290 : vector<16xf32>
          %jit3A_316 = arith.constant 0.000000e+00 : f32
          %broadcast_in_dim3A_317 = vector.broadcast %jit3A_316 : f32 to vector<16xf32>
          %select_n3A_318 = arith.select %gt3A_315, %get3A_296, %broadcast_in_dim3A_317 : vector<16xi1>, vector<16xf32>
          %add3A_319 = arith.addf %gather3A_86, %get3A_293 : vector<16xf32>
          %div3A_320 = arith.divf %gather3A_86, %add3A_319 : vector<16xf32>
          %mul3A_321 = arith.mulf %div3A_320, %select_n3A_318 : vector<16xf32>
          %add3A_322 = arith.addf %add3A_313, %mul3A_321 : vector<16xf32>
          %add3A_323 = arith.addf %add3A_314, %select_n3A_318 : vector<16xf32>
          %gt3A_324 = arith.cmpf ogt, %gather3A_94, %get3A_290 : vector<16xf32>
          %jit3A_325 = arith.constant 0.000000e+00 : f32
          %broadcast_in_dim3A_326 = vector.broadcast %jit3A_325 : f32 to vector<16xf32>
          %select_n3A_327 = arith.select %gt3A_324, %get3A_296, %broadcast_in_dim3A_326 : vector<16xi1>, vector<16xf32>
          %add3A_328 = arith.addf %gather3A_97, %get3A_293 : vector<16xf32>
          %div3A_329 = arith.divf %gather3A_97, %add3A_328 : vector<16xf32>
          %mul3A_330 = arith.mulf %div3A_329, %select_n3A_327 : vector<16xf32>
          %add3A_331 = arith.addf %add3A_322, %mul3A_330 : vector<16xf32>
          %add3A_332 = arith.addf %add3A_323, %select_n3A_327 : vector<16xf32>
          scf.yield %add3A_331, %add3A_332 : vector<16xf32>, vector<16xf32>
        }
        scf.yield %while3A_126#0, %while3A_126#1 : vector<16xf32>, vector<16xf32>
      }
      %scan3A_51 = arith.constant 4 : i32
      scf.yield %scan3A_50#0, %scan3A_50#1 : vector<16xf32>, vector<16xf32>
    }
    %swap3A = arith.constant 0 : index
    %swap3A_29 = tpu.vector_load %arg11[%swap3A] {strides = array<i32>} : memref<32xf32, #tpu.memory_space<vmem>>, vector<16xf32>,
    %swap3A_30 = vector.shape_cast %swap3A_29 : vector<16xf32> to vector<16xf32>
    %swap3A_31 = vector.shape_cast %while3A_28#0 : vector<16xf32> to vector<16xf32>
    tpu.vector_store %arg11[%swap3A], %swap3A_31 {strides = array<i32>} : memref<32xf32, #tpu.memory_space<vmem>>, vector<16xf32>,
    %swap3A_32 = arith.constant 16 : index
    %swap3A_33 = tpu.vector_load %arg11[%swap3A_32] {strides = array<i32>} : memref<32xf32, #tpu.memory_space<vmem>>, vector<16xf32>,
    %swap3A_34 = vector.shape_cast %swap3A_33 : vector<16xf32> to vector<16xf32>
    %swap3A_35 = vector.shape_cast %while3A_28#1 : vector<16xf32> to vector<16xf32>
    tpu.vector_store %arg11[%swap3A_32], %swap3A_35 {strides = array<i32>} : memref<32xf32, #tpu.memory_space<vmem>>, vector<16xf32>,
    "tpu.region"() ({
      %run_scoped3A = tpu.sem_alloc : memref<!tpu.dma_semaphore, #tpu.memory_space<semaphore_mem>>
      %dma_start3A = arith.constant 0 : i32
      %dma_start3A_36 = tpu.memref_slice %arg6[%add3A, %dma_start3A] : memref<32x32xf32, #tpu.memory_space<hbm>> -> memref<1x32xf32, #tpu.memory_space<hbm>>
      %dma_start3A_37 = tpu.memref_squeeze %dma_start3A_36 : memref<1x32xf32, #tpu.memory_space<hbm>> -> memref<32xf32, #tpu.memory_space<hbm>>
      %dma_start3A_38 = arith.constant 0 : i32
      %dma_start3A_39 = tpu.memref_slice %arg6[%add3A, %dma_start3A_38] : memref<32x32xf32, #tpu.memory_space<hbm>> -> memref<1x32xf32, #tpu.memory_space<hbm>>
      %dma_start3A_40 = tpu.memref_squeeze %dma_start3A_39 : memref<1x32xf32, #tpu.memory_space<hbm>> -> memref<32xf32, #tpu.memory_space<hbm>>
      tpu.enqueue_dma source(%arg11 : memref<32xf32, #tpu.memory_space<vmem>>) target(%dma_start3A_40 : memref<32xf32, #tpu.memory_space<hbm>>) target_semaphore(%run_scoped3A : memref<!tpu.dma_semaphore, #tpu.memory_space<semaphore_mem>>)
      %dma_wait3A = arith.constant 0 : i32
      %dma_wait3A_41 = tpu.memref_slice %arg6[%add3A, %dma_wait3A] : memref<32x32xf32, #tpu.memory_space<hbm>> -> memref<1x32xf32, #tpu.memory_space<hbm>>
      %dma_wait3A_42 = tpu.memref_squeeze %dma_wait3A_41 : memref<1x32xf32, #tpu.memory_space<hbm>> -> memref<32xf32, #tpu.memory_space<hbm>>
      %dma_wait3A_43 = arith.constant 0 : i32
      %dma_wait3A_44 = tpu.memref_slice %arg6[%add3A, %dma_wait3A_43] : memref<32x32xf32, #tpu.memory_space<hbm>> -> memref<1x32xf32, #tpu.memory_space<hbm>>
      %dma_wait3A_45 = tpu.memref_squeeze %dma_wait3A_44 : memref<1x32xf32, #tpu.memory_space<hbm>> -> memref<32xf32, #tpu.memory_space<hbm>>
      tpu.wait_dma2 semaphore(%run_scoped3A : memref<!tpu.dma_semaphore, #tpu.memory_space<semaphore_mem>>) src(%arg11 : memref<32xf32, #tpu.memory_space<vmem>>) dst(%dma_wait3A_45 : memref<32xf32, #tpu.memory_space<hbm>>)
      tpu.yield
    }) : () -> ()
    return
  }
}

module attributes {stable_mosaic.version = 14 : i64} {
  func.func @_cindex_tc_kernel(%arg0: i32, %arg1: memref<256x1xf32, #tpu.memory_space<vmem>>, %arg2: memref<256x1xf32, #tpu.memory_space<vmem>>, %arg3: memref<1x4096xf32, #tpu.memory_space<vmem>>, %arg4: memref<1x4096xf32, #tpu.memory_space<vmem>>, %arg5: memref<1x4096xf32, #tpu.memory_space<vmem>>, %arg6: memref<1x1x2xf32, #tpu.memory_space<vmem>>) attributes {dimension_semantics = [#tpu.dimension_semantics<arbitrary>], iteration_bounds = array<i64: 8>, scalar_prefetch = 0 : i64, scratch_operands = 0 : i64, tpu.core_type = #tpu.core_type<tc>, window_params = [{transform_indices = @transform_0, window_bounds = array<i64: 256, 1>}, {transform_indices = @transform_1, window_bounds = array<i64: 256, 1>}, {pipeline_mode = #tpu.pipeline_mode<synchronous>, transform_indices = @transform_2, window_bounds = array<i64: 1, 4096>}, {pipeline_mode = #tpu.pipeline_mode<synchronous>, transform_indices = @transform_3, window_bounds = array<i64: 1, 4096>}, {pipeline_mode = #tpu.pipeline_mode<synchronous>, transform_indices = @transform_4, window_bounds = array<i64: 1, 4096>}, {transform_indices = @transform_5, window_bounds = array<i64: 1, 1, 2>}]} {
    %get3A = arith.constant 0 : index
    %get3A_0 = arith.constant 0 : index
    %get3A_1 = vector.load %arg1[%get3A, %get3A_0] : memref<256x1xf32, #tpu.memory_space<vmem>>, vector<256x1xf32>
    %get3A_2 = arith.constant 0 : index
    %get3A_3 = arith.constant 0 : index
    %get3A_4 = vector.load %arg2[%get3A_2, %get3A_3] : memref<256x1xf32, #tpu.memory_space<vmem>>, vector<256x1xf32>
    %mul3A = arith.constant 1.000000e+01 : f32
    %mul3A_5 = vector.broadcast %mul3A : f32 to vector<256x1xf32>
    %mul3A_6 = arith.mulf %get3A_4, %mul3A_5 : vector<256x1xf32>
    %exp3A = math.exp %mul3A_6 : vector<256x1xf32>
    %add3A = arith.constant 8 : i32
    %add3A_7 = arith.addi %add3A, %arg0 : i32
    %add3A_8 = arith.constant 1 : i32
    %add3A_9 = arith.addi %add3A_7, %add3A_8 : i32
    %while3A = arith.constant 0 : i32
    %while3A_10 = arith.constant 0.000000e+00 : f32
    %while3A_11 = arith.constant 0.000000e+00 : f32
    %while3A_12 = arith.subi %add3A_9, %while3A : i32
    %while3A_13 = arith.addi %while3A, %while3A_12 : i32
    %while3A_14 = arith.constant 1 : i32
    %while3A_15 = arith.divsi %while3A_12, %while3A_14 : i32
    %while3A_16 = arith.muli %while3A_15, %while3A_14 : i32
    %while3A_17 = arith.addi %while3A, %while3A_16 : i32
    %while3A_18 = arith.constant 1 : i32
    %while3A_19:2 = scf.for %while3A_27 = %while3A to %while3A_17 step %while3A_18 iter_args(%while3A_28 = %while3A_10, %while3A_29 = %while3A_11) -> (f32, f32)  : i32 {
      %mul3A_30 = arith.constant 256 : i32
      %mul3A_31 = arith.muli %while3A_27, %mul3A_30 : i32
      %get3A_32 = arith.constant 0 : index
      %get3A_33 = arith.index_cast %mul3A_31 : i32 to index
      %get3A_34 = vector.load %arg3[%get3A_32, %get3A_33] : memref<1x4096xf32, #tpu.memory_space<vmem>>, vector<1x256xf32>
      %get3A_35 = arith.constant 0 : index
      %get3A_36 = arith.index_cast %mul3A_31 : i32 to index
      %get3A_37 = vector.load %arg4[%get3A_35, %get3A_36] : memref<1x4096xf32, #tpu.memory_space<vmem>>, vector<1x256xf32>
      %mul3A_38 = arith.constant 1.000000e+01 : f32
      %mul3A_39 = vector.broadcast %mul3A_38 : f32 to vector<1x256xf32>
      %mul3A_40 = arith.mulf %get3A_37, %mul3A_39 : vector<1x256xf32>
      %exp3A_41 = math.exp %mul3A_40 : vector<1x256xf32>
      %get3A_42 = arith.constant 0 : index
      %get3A_43 = arith.index_cast %mul3A_31 : i32 to index
      %get3A_44 = vector.load %arg5[%get3A_42, %get3A_43] : memref<1x4096xf32, #tpu.memory_space<vmem>>, vector<1x256xf32>
      %gt3A = vector.broadcast %get3A_1 : vector<256x1xf32> to vector<256x256xf32>
      %gt3A_45 = vector.broadcast %get3A_34 : vector<1x256xf32> to vector<256x256xf32>
      %gt3A_46 = arith.cmpf ogt, %gt3A, %gt3A_45 : vector<256x256xf32>
      %jit3A = arith.constant 0.000000e+00 : f32
      %broadcast_in_dim3A = vector.shape_cast %get3A_44 : vector<1x256xf32> to vector<1x256xf32>
      %broadcast_in_dim3A_47 = vector.broadcast %broadcast_in_dim3A : vector<1x256xf32> to vector<256x256xf32>
      %broadcast_in_dim3A_48 = vector.broadcast %jit3A : f32 to vector<256x256xf32>
      %select_n3A = arith.select %gt3A_46, %broadcast_in_dim3A_47, %broadcast_in_dim3A_48 : vector<256x256xi1>, vector<256x256xf32>
      %add3A_49 = vector.broadcast %exp3A : vector<256x1xf32> to vector<256x256xf32>
      %add3A_50 = vector.broadcast %exp3A_41 : vector<1x256xf32> to vector<256x256xf32>
      %add3A_51 = arith.addf %add3A_49, %add3A_50 : vector<256x256xf32>
      %div3A = vector.broadcast %exp3A : vector<256x1xf32> to vector<256x256xf32>
      %div3A_52 = arith.divf %div3A, %add3A_51 : vector<256x256xf32>
      %mul3A_53 = arith.mulf %div3A_52, %select_n3A : vector<256x256xf32>
      %reduce_sum3A = vector.shape_cast %mul3A_53 : vector<256x256xf32> to vector<1x256x256xf32>
      %reduce_sum3A_54 = arith.constant dense<0.000000e+00> : vector<1xf32>
      %reduce_sum3A_55 = vector.multi_reduction <add>, %reduce_sum3A, %reduce_sum3A_54 [1, 2] : vector<1x256x256xf32> to vector<1xf32>
      %reduce_sum3A_56 = vector.shape_cast %reduce_sum3A_55 : vector<1xf32> to vector<1x1x1xf32>
      %reduce_sum3A_57 = vector.extract %reduce_sum3A_56[0, 0, 0] : f32 from vector<1x1x1xf32>
      %add3A_58 = arith.addf %while3A_28, %reduce_sum3A_57 : f32
      %reduce_sum3A_59 = vector.shape_cast %select_n3A : vector<256x256xf32> to vector<1x256x256xf32>
      %reduce_sum3A_60 = arith.constant dense<0.000000e+00> : vector<1xf32>
      %reduce_sum3A_61 = vector.multi_reduction <add>, %reduce_sum3A_59, %reduce_sum3A_60 [1, 2] : vector<1x256x256xf32> to vector<1xf32>
      %reduce_sum3A_62 = vector.shape_cast %reduce_sum3A_61 : vector<1xf32> to vector<1x1x1xf32>
      %reduce_sum3A_63 = vector.extract %reduce_sum3A_62[0, 0, 0] : f32 from vector<1x1x1xf32>
      %add3A_64 = arith.addf %while3A_29, %reduce_sum3A_63 : f32
      scf.yield %add3A_58, %add3A_64 : f32, f32
    }
    %while3A_20 = arith.constant 1 : i32
    %while3A_21:2 = scf.for %while3A_27 = %while3A_17 to %while3A_13 step %while3A_20 iter_args(%while3A_28 = %while3A_19#0, %while3A_29 = %while3A_19#1) -> (f32, f32)  : i32 {
      %mul3A_30 = arith.constant 256 : i32
      %mul3A_31 = arith.muli %while3A_27, %mul3A_30 : i32
      %get3A_32 = arith.constant 0 : index
      %get3A_33 = arith.index_cast %mul3A_31 : i32 to index
      %get3A_34 = vector.load %arg3[%get3A_32, %get3A_33] : memref<1x4096xf32, #tpu.memory_space<vmem>>, vector<1x256xf32>
      %get3A_35 = arith.constant 0 : index
      %get3A_36 = arith.index_cast %mul3A_31 : i32 to index
      %get3A_37 = vector.load %arg4[%get3A_35, %get3A_36] : memref<1x4096xf32, #tpu.memory_space<vmem>>, vector<1x256xf32>
      %mul3A_38 = arith.constant 1.000000e+01 : f32
      %mul3A_39 = vector.broadcast %mul3A_38 : f32 to vector<1x256xf32>
      %mul3A_40 = arith.mulf %get3A_37, %mul3A_39 : vector<1x256xf32>
      %exp3A_41 = math.exp %mul3A_40 : vector<1x256xf32>
      %get3A_42 = arith.constant 0 : index
      %get3A_43 = arith.index_cast %mul3A_31 : i32 to index
      %get3A_44 = vector.load %arg5[%get3A_42, %get3A_43] : memref<1x4096xf32, #tpu.memory_space<vmem>>, vector<1x256xf32>
      %gt3A = vector.broadcast %get3A_1 : vector<256x1xf32> to vector<256x256xf32>
      %gt3A_45 = vector.broadcast %get3A_34 : vector<1x256xf32> to vector<256x256xf32>
      %gt3A_46 = arith.cmpf ogt, %gt3A, %gt3A_45 : vector<256x256xf32>
      %jit3A = arith.constant 0.000000e+00 : f32
      %broadcast_in_dim3A = vector.shape_cast %get3A_44 : vector<1x256xf32> to vector<1x256xf32>
      %broadcast_in_dim3A_47 = vector.broadcast %broadcast_in_dim3A : vector<1x256xf32> to vector<256x256xf32>
      %broadcast_in_dim3A_48 = vector.broadcast %jit3A : f32 to vector<256x256xf32>
      %select_n3A = arith.select %gt3A_46, %broadcast_in_dim3A_47, %broadcast_in_dim3A_48 : vector<256x256xi1>, vector<256x256xf32>
      %add3A_49 = vector.broadcast %exp3A : vector<256x1xf32> to vector<256x256xf32>
      %add3A_50 = vector.broadcast %exp3A_41 : vector<1x256xf32> to vector<256x256xf32>
      %add3A_51 = arith.addf %add3A_49, %add3A_50 : vector<256x256xf32>
      %div3A = vector.broadcast %exp3A : vector<256x1xf32> to vector<256x256xf32>
      %div3A_52 = arith.divf %div3A, %add3A_51 : vector<256x256xf32>
      %mul3A_53 = arith.mulf %div3A_52, %select_n3A : vector<256x256xf32>
      %reduce_sum3A = vector.shape_cast %mul3A_53 : vector<256x256xf32> to vector<1x256x256xf32>
      %reduce_sum3A_54 = arith.constant dense<0.000000e+00> : vector<1xf32>
      %reduce_sum3A_55 = vector.multi_reduction <add>, %reduce_sum3A, %reduce_sum3A_54 [1, 2] : vector<1x256x256xf32> to vector<1xf32>
      %reduce_sum3A_56 = vector.shape_cast %reduce_sum3A_55 : vector<1xf32> to vector<1x1x1xf32>
      %reduce_sum3A_57 = vector.extract %reduce_sum3A_56[0, 0, 0] : f32 from vector<1x1x1xf32>
      %add3A_58 = arith.addf %while3A_28, %reduce_sum3A_57 : f32
      %reduce_sum3A_59 = vector.shape_cast %select_n3A : vector<256x256xf32> to vector<1x256x256xf32>
      %reduce_sum3A_60 = arith.constant dense<0.000000e+00> : vector<1xf32>
      %reduce_sum3A_61 = vector.multi_reduction <add>, %reduce_sum3A_59, %reduce_sum3A_60 [1, 2] : vector<1x256x256xf32> to vector<1xf32>
      %reduce_sum3A_62 = vector.shape_cast %reduce_sum3A_61 : vector<1xf32> to vector<1x1x1xf32>
      %reduce_sum3A_63 = vector.extract %reduce_sum3A_62[0, 0, 0] : f32 from vector<1x1x1xf32>
      %add3A_64 = arith.addf %while3A_29, %reduce_sum3A_63 : f32
      scf.yield %add3A_58, %add3A_64 : f32, f32
    }
    %stack3A = vector.broadcast %while3A_21#0 : f32 to vector<1xf32>
    %stack3A_22 = vector.broadcast %while3A_21#1 : f32 to vector<1xf32>
    %stack3A_23 = tpu.concatenate %stack3A, %stack3A_22 in 0 : vector<1xf32>, vector<1xf32> -> vector<2xf32>
    %reshape3A = vector.shape_cast %stack3A_23 : vector<2xf32> to vector<1x1x2xf32>
    %swap3A = arith.constant 0 : index
    %swap3A_24 = arith.constant 0 : index
    %swap3A_25 = arith.constant 0 : index
    %swap3A_26 = vector.load %arg6[%swap3A, %swap3A_24, %swap3A_25] : memref<1x1x2xf32, #tpu.memory_space<vmem>>, vector<1x1x2xf32>
    tpu.vector_store %arg6[%swap3A, %swap3A_24, %swap3A_25], %reshape3A {strides = array<i32>} : memref<1x1x2xf32, #tpu.memory_space<vmem>>, vector<1x1x2xf32>,
    return
  }
  func.func @transform_0(%arg0: i32) -> (i32, i32) {
    %c0_i32 = arith.constant 0 : i32
    %c0_i32_0 = arith.constant 0 : i32
    return %arg0, %c0_i32 : i32, i32
  }
  func.func @transform_1(%arg0: i32) -> (i32, i32) {
    %c0_i32 = arith.constant 0 : i32
    %c0_i32_0 = arith.constant 0 : i32
    return %arg0, %c0_i32 : i32, i32
  }
  func.func @transform_2(%arg0: i32) -> (i32, i32) {
    %c0_i32 = arith.constant 0 : i32
    %c0_i32_0 = arith.constant 0 : i32
    %c0_i32_1 = arith.constant 0 : i32
    return %c0_i32, %c0_i32_0 : i32, i32
  }
  func.func @transform_3(%arg0: i32) -> (i32, i32) {
    %c0_i32 = arith.constant 0 : i32
    %c0_i32_0 = arith.constant 0 : i32
    %c0_i32_1 = arith.constant 0 : i32
    return %c0_i32, %c0_i32_0 : i32, i32
  }
  func.func @transform_4(%arg0: i32) -> (i32, i32) {
    %c0_i32 = arith.constant 0 : i32
    %c0_i32_0 = arith.constant 0 : i32
    %c0_i32_1 = arith.constant 0 : i32
    return %c0_i32, %c0_i32_0 : i32, i32
  }
  func.func @transform_5(%arg0: i32) -> (i32, i32, i32) {
    %c0_i32 = arith.constant 0 : i32
    %c0_i32_0 = arith.constant 0 : i32
    %c0_i32_1 = arith.constant 0 : i32
    return %arg0, %c0_i32, %c0_i32_0 : i32, i32, i32
  }
}

</mosaic_0001>

<sc_bundles>
// kernel: kernel.4.cloned.1.call-start
scs
__scs_entry_jumppad:
0x0: {  	(pc) =	sbr.rel $0x88, $3  }
0x1: {  	(tag) =	ssettag $0x0;
	lr =	simm.s32 $0x1  }
0x2: {  	[smem:$0x3F9E] =	sst lr;
	_ =	strace $0xD0000000  }
0x3: {  	_ = 	snop  }
0x4: {  	_ = 	snop  }
0x5: {  	_ = 	snop  }
0x6: {  	_ = 	snop  }
0x7: {  	_ = 	snop  }
__scs_overlays_trampoline_lowered:
0x8: {  	[smem:$0x3FAD] =	sst s0  }
0x9: {  	[smem:$0x3FAE] =	sst s1  }
0xa: {  	[smem:$0x3FAF] =	sst s2  }
0xb: {  	[smem:$0x3FB0] =	sst s3  }
0xc: {  	[smem:$0x3FB1] =	sst s4  }
0xd: {  	[smem:$0x3FB2] =	sst s5  }
0xe: {  	[smem:$0x3FB3] =	sst s6  }
0xf: {  	[smem:$0x3FB4] =	sst s7  }
0x10: {  	[smem:$0x3FB5] =	sst s8  }
0x11: {  	[smem:$0x3FB6] =	sst s9;
	s0 =	simm.s32 @!p0 $0x0  }
0x12: {  	s1 =	sld [smem:$0x3F9C];
	s0 =	simm.s32 @p0 $0x1  }
0x13: {  	[smem:$0x3FB7] =	sst s0;
	s0 =	simm.s32 @!p1 $0x0  }
0x14: {  	s2 =	sld [smem:$0x3F9B];
	s0 =	simm.s32 @p1 $0x1  }
0x15: {  	[smem:$0x3FB8] =	sst s0;
	s0 =	simm.s32 @!p2 $0x0  }
0x16: {  	s3 =	sld [smem:$0x3FDB];
	s0 =	simm.s32 @p2 $0x1  }
0x17: {  	s4 =	simm.s32 $0x1BF5;
	[smem:$0x3FBA] =	sst s0  }
0x18: {  	s0 =	sld [smem:$0x3F9D];
	_ =	swait.ge [sflag:s4], $0x0  }
0x19: {  	s7 =	sld [smem:$0x3F9E]  }
0x1a: {  	s8 =	sadd.s32 $0xFFFFE003, lr  }
0x1b: {  	s9 =	sadd.s32 $0xFFFFFEF7, lr;
	s5 =	simm.s32 $0xFFFFFFFF;
	p2 =	slt.u32 s8, $0xFFFFF086  }
0x1c: {  	p1 =	slt.u32 s9, $0xF7A;
	s5 =	simm.s32 @!p2 $0x0  }
0x1d: {  	s5 =	simm.s32 @p1 $0x1;
	p0 =	seq.s32 s7, s2  }
0x1e: {  	s7 =	smul.u32 @!p0 $0xF7A, s2;
	p2 =	seq.s32 @!p0 s5, $0x0  }
0x1f: {  	s9 =	smul.u32 $0xF7A, s1;
	s8 =	simm.s32 @!p0 $0x1BF5;
	p2 =	por !p2, p0  }
0x20: {  	[sflag:s8] =	ssyncset.s32 @!p0 $0xFFFFF086;
	s6 =	sadd.s32 @!p0 s3, s7;
	s7 =	simm.s32 @!p0 $0x108  }
0x21: {  	s3 =	sadd.s32 s3, s9;
	s6 =	sadd.s32 @!p0 $0x88, s6;
	s7 =	simm.s32 @p2 $0x1082  }
0x22: {  	[simem:s7], [sflag:s8] =	dma.local @!p0 [hbm:s6], $0xF7A  }
0x23: {  	s9 =	sor.u32 $0xD0000000, s2;
	s6 =	simm.s32 $0x108;
	_ =	swait.ge @!p0 [sflag:s8], $0x0  }
0x24: {  	s3 =	sadd.s32 $0x88, s3;
	s6 =	simm.s32 @!p1 $0x1082;
	[sflag:s4] =	ssyncset.s32 $0xFFFFF086  }
0x25: {  	[simem:s6], [sflag:s4] =	dma.local [hbm:s3], $0xF7A  }
0x26: {  	[smem:$0x3F9E] =	sst s1;
	(tag) =	ssettag s2;
	_ =	strace s9  }
0x27: {  	s1 =	sld [smem:$0x3FAE]  }
0x28: {  	s2 =	sld [smem:$0x3FAF]  }
0x29: {  	s4 =	sld [smem:$0x3FB1]  }
0x2a: {  	p0 =	seq.s32 s5, $0x0;
	s5 =	sld [smem:$0x3FB2]  }
0x2b: {  	s6 =	sld [smem:$0x3FB3]  }
0x2c: {  	s7 =	sld [smem:$0x3FB4]  }
0x2d: {  	s3 =	simm.s32 $0x108;
	s8 =	sld [smem:$0x3FB5]  }
0x2e: {  	s3 =	simm.s32 @!p0 $0x1082;
	s9 =	sld [smem:$0x3FB6]  }
0x2f: {  	lr =	sadd.s32 s0, s3;
	s0 =	sld [smem:$0x3FAD]  }
0x30: {  	s3 =	sld [smem:$0x3FB0]  }
0x31: {  	[smem:$0x3FB9] =	sst s10  }
0x32: {  	s10 =	sld [smem:$0x3FB7];
	_ =	sdelay $0x3  }
0x33: {  	p0 =	seq.s32 s10, $0x1;
	s10 =	sld [smem:$0x3FB9];
	_ =	sdelay $0x3  }
0x34: {  	[smem:$0x3FB9] =	sst s10  }
0x35: {  	s10 =	sld [smem:$0x3FB8];
	_ =	sdelay $0x3  }
0x36: {  	p1 =	seq.s32 s10, $0x1;
	s10 =	sld [smem:$0x3FB9];
	_ =	sdelay $0x3  }
0x37: {  	[smem:$0x3FB9] =	sst s10  }
0x38: {  	s10 =	sld [smem:$0x3FBA]  }
0x39: {  	_ = 	snop;
	(pc) =	sbr.ind lr, $3  }
0x3a: {  	_ = 	snop  }
0x3b: {  	_ = 	snop  }
0x3c: {  	p2 =	seq.s32 s10, $0x1;
	s10 =	sld [smem:$0x3FB9]  }
0x3d: {  	_ =	shalt  }
0x3e: {  	_ =	shalt  }
0x3f: {  	_ =	shalt  }
0x40: {  	_ =	shalt  }
0x41: {  	_ =	shalt  }
0x42: {  	_ =	shalt  }
0x43: {  	_ =	shalt  }
0x44: {  	_ =	shalt  }
0x45: {  	_ =	shalt  }
0x46: {  	_ =	shalt  }
0x47: {  	_ =	shalt  }
0x48: {  	_ =	shalt  }
0x49: {  	_ =	shalt  }
0x4a: {  	_ =	shalt  }
0x4b: {  	_ =	shalt  }
0x4c: {  	_ =	shalt  }
0x4d: {  	_ =	shalt  }
0x4e: {  	_ =	shalt  }
0x4f: {  	_ =	shalt  }
0x50: {  	_ =	shalt  }
0x51: {  	_ =	shalt  }
0x52: {  	_ =	shalt  }
0x53: {  	_ =	shalt  }
0x54: {  	_ =	shalt  }
0x55: {  	_ =	shalt  }
0x56: {  	_ =	shalt  }
0x57: {  	_ =	shalt  }
0x58: {  	_ =	shalt  }
0x59: {  	_ =	shalt  }
0x5a: {  	_ =	shalt  }
0x5b: {  	_ =	shalt  }
0x5c: {  	_ =	shalt  }
0x5d: {  	_ =	shalt  }
0x5e: {  	_ =	shalt  }
0x5f: {  	_ =	shalt  }
0x60: {  	_ =	shalt  }
0x61: {  	_ =	shalt  }
0x62: {  	_ =	shalt  }
0x63: {  	_ =	shalt  }
0x64: {  	_ =	shalt  }
0x65: {  	_ =	shalt  }
0x66: {  	_ =	shalt  }
0x67: {  	_ =	shalt  }
0x68: {  	_ =	shalt  }
0x69: {  	_ =	shalt  }
0x6a: {  	_ =	shalt  }
0x6b: {  	_ =	shalt  }
0x6c: {  	_ =	shalt  }
0x6d: {  	_ =	shalt  }
0x6e: {  	_ =	shalt  }
0x6f: {  	_ =	shalt  }
0x70: {  	_ =	shalt  }
0x71: {  	_ =	shalt  }
0x72: {  	_ =	shalt  }
0x73: {  	_ =	shalt  }
0x74: {  	_ =	shalt  }
0x75: {  	_ =	shalt  }
0x76: {  	_ =	shalt  }
0x77: {  	_ =	shalt  }
0x78: {  	_ =	shalt  }
0x79: {  	_ =	shalt  }
0x7a: {  	_ =	shalt  }
0x7b: {  	_ =	shalt  }
0x7c: {  	_ =	shalt  }
0x7d: {  	_ =	shalt  }
0x7e: {  	_ =	shalt  }
0x7f: {  	_ =	shalt  }
0x80: {  	_ =	shalt  }
0x81: {  	_ =	shalt  }
0x82: {  	_ =	shalt  }
0x83: {  	_ =	shalt  }
0x84: {  	_ =	shalt  }
0x85: {  	_ =	shalt  }
0x86: {  	_ =	shalt  }
0x87: {  	_ =	shalt  }
.Lfunc_end0:
.L_simem_size_0:
called_computation_lowered:
.L_overlay_start_0:
0x88: {  	s2 =	sld [smem:$0x3FD9]  }
0x89: {  	s3 =	sld [smem:$0x3FFE];
	_ =	sdelay $0x1  }
0x8a: {  	s1 =	srdreg.scid  }
0x8b: {  	s0 =	sand.u32 $0x1, s1  }
0x8c: {  	s17 =	sshll.u32 s0, $0xA;
	s2 =	sadd.s32 s3, s2  }
0x8d: {  	s2 =	sadd.s32 s2, s17  }
0x8e: {  	[smem:$0x3FC5] =	sst s2  }
0x8f: {  	_ = 	snop  }
0x90: {  	s2 =	sld [smem:$0x3FD0];
	(tm) =	ssettm $0x1  }
0x91: {  	s18 =	sld [smem:$0x3FFB];
	_ =	sdelay $0x3  }
0x92: {  	_ =	strace s18  }
0x93: {  	s3 =	sld [smem:$0x3FFC];
	_ =	sdelay $0x3  }
0x94: {  	_ =	strace s3  }
0x95: {  	s3 =	sld [smem:$0x3FFD];
	_ =	sdelay $0x3  }
0x96: {  	_ =	strace s3  }
0x97: {  	_ =	strace $0x8FFFFFFF  }
0x98: {  	s19 =	sld [smem:$0x3FDB];
	_ =	sdelay $0x1  }
0x99: {  	s4 =	simm.s32 $_scs_section_size  }
0x9a: {  	s5 =	simm.s32 $_size__tile_overlayer_lowered;
	s6 =	simm.s32 $_tile_overlayer_lowered  }
0x9b: {  	s22 =	simm.s32 $0x1BFF;
	s21 =	sshll.u32 s6, $0x1;
	s3 =	sadd.s32 s4, s19  }
0x9c: {  	s7 =	simm.s32 $0x0;
	s20 =	sshll.u32 s5, $0x1;
	s5 =	sadd.s32 s21, s3  }
0x9d: {  	[timem:s7], [sflag:s22] =	dma.local [hbm:s5], s20  }
0x9e: {  	_ =	swait.ge [sflag:s22], s20  }
0x9f: {  	s4 =	ssub.s32 $0x0, s20;
	[sflag:s22] =	ssyncset.done $0x0  }
0xa0: {  	[sflag:s22] =	ssyncadd.s32 s4;
	_ =	sdelay $0x1  }
0xa1: {  	s23 =	simm.s32 $0x1B8B  }
0xa2: {  	_ =	swait.ge [sflag:s23], $0x1  }
0xa3: {  	[sflag:s23] =	ssyncset.done $0x0  }
0xa4: {  	s25 =	simm.s32 $0x1B8E;
	s24 =	sld [smem:$0x3FFE];
	[sflag:s23] =	ssyncadd.s32 $0xFFFFFFFF  }
0xa5: {  	s26 =	simm.s32 $execute0_lowered;
	[smem:$0x3FD2] =	sst s25  }
0xa6: {  	s5 =	sshll.u32 s26, $0x1;
	_ =	strace $0x80000046;
	[dreg:$0x1] =	wrdreg $0xFFFFFFFF  }
0xa7: {  	s28 =	simm.s32 $_size_execute0_lowered;
	s3 =	sadd.s32 s3, s5;
	[dreg:$0x0] =	wrdreg $0x0  }
0xa8: {  	s5 =	sshll.u32 s28, $0x1;
	[dreg:$0x2] =	wrdreg s3  }
0xa9: {  	[dreg:$0x3] =	wrdreg s5  }
0xaa: {  	[dreg:$0x4] =	wrdreg $0xC0  }
0xab: {  	_ =	task [dreg:s7], $0x5FFFF  }
0xac: {  	[dreg:$0x1] =	wrdreg $0xFFFFFFFF  }
0xad: {  	[dreg:$0x0] =	wrdreg $0x60  }
0xae: {  	[dreg:$0x2] =	wrdreg s24  }
0xaf: {  	[dreg:$0x3] =	wrdreg s2  }
0xb0: {  	[dreg:$0x4] =	wrdreg $0x9  }
0xb1: {  	_ =	task.clear_ibuf [dreg:s7], $0x5FFFF;
	_ =	strace $0x90000046  }
0xb2: {  	s29 =	simm.s32 $0x9;
	_ =	strace $0x80000048  }
0xb3: {  	_ =	swait.ge [sflag:s29], $0x1  }
0xb4: {  	[sflag:s29] =	ssyncadd.s32 $0xFFFFFFFF  }
0xb5: {  	_ =	strace $0x90000048  }
0xb6: {  	_ =	sfence  }
0xb7: {  	s30 =	sld [smem:$0x0];
	_ =	sdelay $0x2  }
0xb8: {  	s31 =	sshll.u32 s1, $0xD;
	s1 =	sshrl.u32 s1, $0x2  }
0xb9: {  	s3 =	sand.u32 $0x4000, s31;
	s1 =	sadd.s32 s1, s30  }
0xba: {  	s0 =	sor.u32 s3, s0;
	s1 =	sshll.u32 s1, $0x11  }
0xbb: {  	s0 =	sor.u32 s1, s0  }
0xbc: {  	s0 =	sadd.s32 $0x8F2B, s0  }
0xbd: {  	[sflag:s0] =	ssyncadd.remote.s32 $0x1  }
0xbe: {  	_ =	sfence.sel $0xFFFF  }
0xbf: {  	[dreg:$0x0] =	wrdreg $0xFFFFFFFF;
	(pc) =	sbr.abs _section_cstart, $3  }
0xc0: {  	[dreg:$0x1] =	wrdreg $0xFFFFFFFF  }
0xc1: {  	_ =	task.clear_ibuf [dreg:s7], $0x2FFFF;
	_ =	strace $0x9FFFFFFF  }
0xc2: {  	(tm) =	ssettm $0x7FFFFFFF  }
0xc3: {  	_ =	shalt  }
tec
execute0_lowered:
.L_overlay_start_1:
0x0: {  	(tag) =	ssettag $0x1  }
0x1: {  	s1 =	rddreg [dreg:$0x0]  }
0x2: {  	s3 =	rddreg [dreg:$0x1]  }
0x3: {  	s0 =	rddreg [dreg:$0x2]  }
0x4: {  	s4 =	simm.s32 $0x0;
	s5 =	srdreg.scid;
	s2 =	stileid.u32  }
0x5: {  	s12 =	simm.s32 $0x1000;
	s13 =	simm.s32 $0x1800;
	s14 =	simm.s32 $0x1880  }
0x6: {  	s15 =	simm.s32 $0x0;
	[smem:$0x7FF] =	sst s4;
	s7 =	sand.u32 $0x1, s5  }
.Ltmp0:
0x7: {  	s30 =	sshll.u32 s2, $0x1;
	s6 =	sadd.s32 $0x400, s1;
	(pc) =	sbr.rel .LBB2_1-.Ltmp0, $4  }
0x8: {  	_ =	strace $0x80000047;
	s5 =	sor.u32 s7, s30;
	s9 =	ssub.s32 $0x2, s7  }
0x9: {  	s7 =	sadd.s32 $0x200, s1;
	s8 =	sshll.u32 s5, $0x4;
	s31 =	sshrl.u32 s9, $0x1  }
0xa: {  	s10 =	sadd.s32 s8, s1;
	s11 =	ssub.s32 s9, s31;
	s8 =	sor.u32 $0x1800, s5  }
0xb: {  	s9 =	sadd.s32 $0x600, s10;
	s10 =	smax.u32 s11, $0x1;
	s11 =	simm.s32 $0x1  }
.LBB2_16:
0xc: {  	s15 =	sadd.s32 $0x1, s15  }
0xd: {  	[tilespmem:$0x1880] =	vst v11;
	p0 =	sne.s32 s15, s10  }
.Ltmp1:
0xe: {  	[tilespmem:$0x1890] =	vst v10;
	(pc) =	sbr.rel @!p0 .LBB2_17-.Ltmp1, $4  }
0xf: {  	[hbm4b:s9+s4] =	stream.linear.scatter [tilespmem:s14], [sflag:$0x1], $0x80, $0x38;
	[tilespmem:$0x1900] =	vst v63  }
0x10: {  	_ =	swait.ge [sflag:s11], $0x80  }
0x11: {  	[sflag:s11] =	ssyncset.done $0x0  }
0x12: {  	[sflag:s11] =	ssyncadd.s32 $0xFFFFFF80  }
.LBB2_1:
0x13: {  	[tilespmem:s4], [sflag:$0x1] =	stream.linear.gather [hbm4b:s6+s4], $0x800, $0x38;
	[tilespmem:$0x1900] =	vst v63  }
0x14: {  	_ =	swait.ge [sflag:s11], $0x800  }
0x15: {  	[sflag:s11] =	ssyncset.done $0x0  }
0x16: {  	s18 =	simm.s32 $0x800;
	[sflag:s11] =	ssyncadd.s32 $0xFFFFF800  }
0x17: {  	[tilespmem:s18], [sflag:$0x1] =	stream.linear.gather [hbm4b:s7+s4], $0x800, $0x38;
	[tilespmem:$0x1900] =	vst v63  }
0x18: {  	_ =	swait.ge [sflag:s11], $0x800  }
0x19: {  	[sflag:s11] =	ssyncset.done $0x0  }
0x1a: {  	[sflag:s11] =	ssyncadd.s32 $0xFFFFF800  }
0x1b: {  	[tilespmem:s12], [sflag:$0x1] =	stream.linear.gather [hbm4b:s1+s4], $0x800, $0x38;
	[tilespmem:$0x1900] =	vst v63  }
0x1c: {  	_ =	swait.ge [sflag:s11], $0x800  }
0x1d: {  	[sflag:s11] =	ssyncset.done $0x0  }
0x1e: {  	[sflag:s11] =	ssyncadd.s32 $0xFFFFF800  }
0x1f: {  	[tilespmem:s13], [sflag:$0x1] =	stream.linear.gather [hbm4b:s3+s4], $0x80, $0x38;
	[tilespmem:$0x1900] =	vst v63  }
0x20: {  	_ =	swait.ge [sflag:s11], $0x80  }
0x21: {  	[sflag:s11] =	ssyncset.done $0x0  }
0x22: {  	[sflag:s11] =	ssyncadd.s32 $0xFFFFFF80  }
0x23: {  	v0 =	vld.msk [tilespmem:s8+$0x0], $0x1  }
0x24: {  	v1 =	vld.msk [tilespmem:s5+$0x1801], $0x1;
	_ =	sdelay $0x3  }
0x25: {  	(v2sf) =	vpush v0, $0x0  }
0x26: {  	(v2sf) =	vpush v1, $0x0;
	_ =	sdelay $0xd  }
0x27: {  	s16 =	spop (v2sf)  }
0x28: {  	s17 =	spop (v2sf)  }
0x29: {  	p0 =	sgt.s32 s17, $0x0  }
.Ltmp2:
0x2a: {  	_ = 	snop;
	(pc) =	sbr.rel @!p0 .LBB2_2-.Ltmp2, $1  }
0x2b: {  	_ =	sdelay $0x3  }
0x2c: {  	p0 =	seq.s32 s17, $0x1  }
.Ltmp3:
0x2d: {  	_ = 	snop;
	(pc) =	sbr.rel @p0 .LBB2_9-.Ltmp3, $2  }
0x2e: {  	_ =	sdelay $0x2  }
0x2f: {  	v0 =	vld [tilespmem:s18+$0x0];
	s19 =	sadd.s32 $0xFFFFFFFF, s17  }
.LBB2_8:
0x30: {  	p0 =	seq.s32 s19, $0x1;
	_ =	sdelay $0x3  }
0x31: {  	v0 =	vmul.f32 $1.000000000e+01, v0;
	_ =	sdelay $0x1  }
0x32: {  	v0 =	vmul.f32 $1.442695020e+00, v0;
	_ =	sdelay $0x1  }
0x33: {  	(erf) = vpow2.f32 v0;
	_ =	sdelay $0x6  }
.Ltmp4:
0x34: {  	(pc) =	sbr.rel @!p0 .LBB2_8-.Ltmp4, $4  }
0x35: {  	_ = 	snop  }
0x36: {  	v0 =	vpop (erf)  }
0x37: {  	[tilespmem:s18+$0x0] =	vst v0;
	s18 =	sadd.s32 $0x10, s18  }
0x38: {  	s19 =	sadd.s32 $0xFFFFFFFF, s19;
	v0 =	vld [tilespmem:s18+$0x0]  }
.LBB2_9:
0x39: {  	_ =	sdelay $0x3  }
0x3a: {  	v0 =	vmul.f32 $1.000000000e+01, v0;
	_ =	sdelay $0x1  }
0x3b: {  	v0 =	vmul.f32 $1.442695020e+00, v0;
	_ =	sdelay $0x1  }
0x3c: {  	(erf) = vpow2.f32 v0;
	_ =	sdelay $0x8  }
0x3d: {  	v0 =	vpop (erf)  }
0x3e: {  	[tilespmem:s18+$0x0] =	vst v0  }
.LBB2_2:
0x3f: {  	p0 =	slt.s32 s16, s17  }
.Ltmp5:
0x40: {  	_ = 	snop;
	(pc) =	sbr.rel @!p0 .LBB2_16-.Ltmp5, $4  }
.Ltmp6:
0x41: {  	_ = 	snop;
	(pc) =	sbr.rel @p0 .LBB2_3-.Ltmp6, $4  }
0x42: {  	_ = 	snop  }
0x43: {  	_ = 	snop  }
0x44: {  	v10 =	vimm.f32 $0.0e+00;
	v11 =	vimm.f32 $0.0e+00  }
0x45: {  	_ = 	snop  }
.LBB2_15:
0x46: {  	s16 =	sadd.s32 $0x1, s16  }
0x47: {  	p0 =	sne.s32 s16, s17  }
.Ltmp7:
0x48: {  	_ = 	snop;
	(pc) =	sbr.rel @!p0 .LBB2_16-.Ltmp7, $1  }
0x49: {  	_ =	sdelay $0x3  }
.LBB2_3:
0x4a: {  	s18 =	sadd.s32 $0x4, s16;
	s19 =	sand.u32 $0x3, s16  }
0x4b: {  	s20 =	sshra.s32 s18, $0x1F;
	p0 =	slt.s32 s18, $0x1;
	p1 =	sne.s32 s19, $0x0  }
.Ltmp8:
0x4c: {  	s30 =	sshrl.u32 s20, $0x1E;
	p0 =	por !p0, !p1;
	(pc) =	sbr.rel .LBB2_4-.Ltmp8, $4  }
0x4d: {  	s19 =	simm.s32 $0x1;
	s18 =	sadd.s32 s30, s18;
	p0 =	por !p0, !p0  }
0x4e: {  	s31 =	sshll.u32 s16, $0x4;
	s18 =	sshra.s32 s18, $0x2;
	s19 =	simm.s32 @!p0 $0x0  }
0x4f: {  	v0 =	vld [tilespmem:s31+$0x0];
	s18 =	ssub.s32 s18, s19  }
0x50: {  	v1 =	vld [tilespmem:s31+$0x800];
	s19 =	simm.s32 $0x0;
	p0 =	slt.s32 s18, $0x1  }
.LBB2_6:
0x51: {  	s24 =	simm.s32 $0x20;
	s23 =	simm.s32 $0x1020  }
.LBB2_13:
0x52: {  	v21 =	vnsel @p1 vm0, $0x0, v15  }
0x53: {  	vm0 =	vgt.f32 @p1 v4, v14;
	v20 =	vmul.f32 @p1 v20, v5;
	v17 =	vadd.f32 @p1 v17, v19  }
0x54: {  	v18 =	vadd.f32 @p1 v18, v12;
	v40 =	vld [tilespmem:s22+$0x10];
	v41 =	vadd.f32 v13, v9;
	v16 =	vmul.f32 @p1 v16, v21  }
0x55: {  	v43 =	vadd.f32 v13, v8;
	v44 =	vld [tilespmem:s22+$0xFFFFFFF0];
	v45 =	vadd.f32 v13, v5;
	v22 =	vnsel @p1 vm0, $0x0, v15  }
0x56: {  	v19 =	vpop @p1 (erf);
	v23 =	vld [tilespmem:s22+$0x0];
	v18 =	vadd.f32 @p1 v18, v21;
	v16 =	vadd.f32 @p1 v17, v16;
	v17 =	vmul.f32 @p1 v20, v22  }
0x57: {  	s24 =	sadd.s32 @p1 $0x40, s24;
	v48 =	vadd.f32 v13, v3;
	vm0 =	vgt.f32 @p1 v2, v14;
	v14 =	vmul.f32 @p1 v19, v3  }
0x58: {  	s21 =	smov.u32 @p1 s24;
	v15 =	vnsel @p1 vm0, $0x0, v15;
	v16 =	vadd.f32 @p1 v16, v17;
	v17 =	vadd.f32 @p1 v18, v22  }
0x59: {  	v12 =	vld [tilespmem:s21+$0x0];
	(erf) = vrcp.f32 v41;
	v46 =	vadd.f32 v40, v3;
	v49 =	vadd.f32 v40, v8  }
0x5a: {  	v14 =	vmul.f32 @p1 v14, v15;
	v50 =	vadd.f32 v40, v5;
	v24 =	vadd.f32 v44, v9  }
0x5b: {  	v42 =	vld [tilespmem:s21+$0xFFFFFFF0];
	(erf) = vrcp.f32 v43;
	v25 =	vadd.f32 v23, v3;
	v19 =	vadd.f32 v40, v9  }
0x5c: {  	s22 =	sadd.s32 @p1 $0x40, s23;
	v47 =	vld [tilespmem:s21+$0xFFFFFFE0];
	(erf) = vrcp.f32 v45;
	v52 =	vadd.f32 v44, v8;
	v53 =	vadd.f32 v23, v8  }
0x5d: {  	s20 =	smov.u32 @p1 s22;
	(erf) = vrcp.f32 v48;
	v26 =	vadd.f32 v23, v5;
	v27 =	vadd.f32 v44, v5  }
0x5e: {  	v51 =	vld [tilespmem:s20+$0xFFFFFFE0];
	v23 =	vadd.f32 v23, v9;
	v22 =	vadd.f32 v44, v3;
	vm14 =	vgt.f32 v4, v12  }
0x5f: {  	v14 =	vadd.f32 @p1 v16, v14;
	v15 =	vadd.f32 @p1 v17, v15;
	vm1 =	vgt.f32 v7, v12  }
0x60: {  	vm2 =	vgt.f32 v6, v12;
	vm3 =	vgt.f32 v2, v42;
	(erf) = vrcp.f32 v24  }
0x61: {  	vm4 =	vgt.f32 v4, v42;
	vm6 =	vgt.f32 v6, v42;
	vm7 =	vgt.f32 v2, v47  }
0x62: {  	vm8 =	vgt.f32 v4, v47;
	vm9 =	vgt.f32 v6, v47;
	vm15 =	vgt.f32 v7, v47;
	v28 =	vpop (erf)  }
0x63: {  	v55 =	vnsel vm9, $0x0, v51;
	(erf) = vrcp.f32 v52;
	v54 =	vmul.f32 v28, v9  }
0x64: {  	v58 =	vnsel vm15, $0x0, v51;
	v62 =	vnsel vm8, $0x0, v51;
	v29 =	vpop (erf);
	(erf) = vrcp.f32 v27  }
0x65: {  	v60 =	vld [tilespmem:s20+$0xFFFFFFF0];
	v10 =	vpsel p1, v15, v10;
	v57 =	vmul.f32 v29, v8;
	v21 =	vmul.f32 v54, v55  }
0x66: {  	v11 =	vpsel p1, v14, v11;
	v10 =	vadd.f32 v55, v10;
	v56 =	vpop (erf);
	(erf) = vrcp.f32 v22  }
0x67: {  	v17 =	vmul.f32 v56, v5;
	v59 =	vmul.f32 v57, v58;
	v11 =	vadd.f32 v21, v11  }
0x68: {  	v13 =	vnsel vm7, $0x0, v51;
	v10 =	vadd.f32 v10, v58;
	v61 =	vpop (erf);
	(erf) = vrcp.f32 v23  }
0x69: {  	v21 =	vmul.f32 v61, v3;
	v63 =	vmul.f32 v17, v62;
	v23 =	vpop (erf);
	v11 =	vadd.f32 v11, v59  }
0x6a: {  	v29 =	vnsel vm6, $0x0, v60;
	v10 =	vadd.f32 v10, v62;
	v17 =	vmul.f32 v23, v9  }
0x6b: {  	(erf) = vrcp.f32 v53;
	v27 =	vmul.f32 v21, v13;
	v11 =	vadd.f32 v11, v63  }
0x6c: {  	vm5 =	vgt.f32 v7, v42;
	v10 =	vadd.f32 v10, v13;
	v30 =	vmul.f32 v17, v29;
	v28 =	vpop (erf)  }
0x6d: {  	(erf) = vrcp.f32 v26;
	v21 =	vmul.f32 v28, v8;
	v11 =	vadd.f32 v11, v27  }
0x6e: {  	v32 =	vnsel vm5, $0x0, v60;
	v10 =	vadd.f32 v10, v29;
	v31 =	vpop (erf);
	(erf) = vrcp.f32 v25  }
0x6f: {  	v34 =	vld [tilespmem:s20+$0x0];
	v14 =	vmul.f32 v31, v5;
	v33 =	vmul.f32 v21, v32;
	v11 =	vadd.f32 v11, v30  }
0x70: {  	v36 =	vnsel vm4, $0x0, v60;
	v10 =	vadd.f32 v10, v32;
	v35 =	vpop (erf);
	(erf) = vrcp.f32 v19  }
0x71: {  	v22 =	vmul.f32 v35, v3;
	v37 =	vmul.f32 v14, v36;
	v11 =	vadd.f32 v11, v33  }
0x72: {  	v15 =	vnsel vm3, $0x0, v60;
	v10 =	vadd.f32 v10, v36;
	v38 =	vpop (erf);
	(erf) = vrcp.f32 v49  }
0x73: {  	v14 =	vmul.f32 v38, v9;
	v39 =	vmul.f32 v22, v15;
	v11 =	vadd.f32 v11, v37  }
0x74: {  	v41 =	vnsel vm2, $0x0, v34;
	v10 =	vadd.f32 v10, v15;
	v40 =	vpop (erf);
	(erf) = vrcp.f32 v50  }
0x75: {  	v17 =	vmul.f32 v40, v8;
	v42 =	vmul.f32 v14, v41;
	v11 =	vadd.f32 v11, v39  }
0x76: {  	v45 =	vnsel vm1, $0x0, v34;
	v10 =	vadd.f32 v10, v41;
	v44 =	vpop (erf);
	(erf) = vrcp.f32 v46  }
0x77: {  	v43 =	vld [tilespmem:s21+$0x10];
	v46 =	vmul.f32 v17, v45;
	v15 =	vmul.f32 v44, v5;
	v11 =	vadd.f32 v11, v42  }
0x78: {  	v47 =	vld [tilespmem:s20+$0x10];
	vm11 =	vgt.f32 v2, v12;
	v49 =	vnsel vm14, $0x0, v34;
	v10 =	vadd.f32 v10, v45;
	v48 =	vpop (erf)  }
0x79: {  	v50 =	vmul.f32 v48, v3;
	v51 =	vmul.f32 v15, v49;
	v11 =	vadd.f32 v11, v46  }
0x7a: {  	v53 =	vnsel vm11, $0x0, v34;
	v10 =	vadd.f32 v10, v49;
	v52 =	vpop (erf)  }
0x7b: {  	v54 =	vmul.f32 v52, v9;
	v9 =	vadd.f32 v11, v51;
	v11 =	vmul.f32 v50, v53  }
0x7c: {  	vm12 =	vgt.f32 v6, v43;
	vm13 =	vgt.f32 v7, v43;
	v55 =	vpop (erf)  }
0x7d: {  	v56 =	vnsel vm12, $0x0, v47;
	v57 =	vmul.f32 v55, v8;
	v8 =	vadd.f32 v9, v11  }
0x7e: {  	v6 =	vmul.f32 v54, v56;
	v9 =	vadd.f32 v10, v53;
	v10 =	vpop (erf);
	v11 =	vnsel vm13, $0x0, v47  }
0x7f: {  	vm14 =	vgt.f32 v4, v43;
	v58 =	vmul.f32 v10, v5;
	v7 =	vmul.f32 v57, v11  }
0x80: {  	v59 =	vadd.f32 v8, v6;
	v60 =	vadd.f32 v9, v56;
	v9 =	vnsel vm14, $0x0, v47  }
0x81: {  	vm15 =	vgt.f32 v2, v43;
	v4 =	vmul.f32 v58, v9;
	v8 =	vpop (erf)  }
0x82: {  	v61 =	vadd.f32 v60, v11;
	v2 =	vmul.f32 v8, v3;
	v3 =	vadd.f32 v59, v7  }
0x83: {  	v62 =	vnsel vm15, $0x0, v47  }
0x84: {  	v63 =	vadd.f32 v61, v9;
	v3 =	vadd.f32 v3, v4;
	v2 =	vmul.f32 v2, v62;
	_ =	sdelay $0x1  }
0x85: {  	v10 =	vadd.f32 v63, v62;
	v11 =	vadd.f32 v3, v2  }
.LBB2_14:
0x86: {  	s19 =	sadd.s32 $0x1, s19  }
0x87: {  	p1 =	sne.s32 s19, $0x4  }
.Ltmp9:
0x88: {  	_ = 	snop;
	(pc) =	sbr.rel @!p1 .LBB2_15-.Ltmp9, $1  }
0x89: {  	_ =	sdelay $0x3  }
.LBB2_4:
.Ltmp10:
0x8a: {  	(pc) =	sbr.rel @p0 .LBB2_14-.Ltmp10, $1  }
0x8b: {  	_ =	sdelay $0x3  }
0x8c: {  	s20 =	sshll.u32 s19, $0x2  }
0x8d: {  	v2 =	vmov s20  }
0x8e: {  	s21 =	sor.u32 $0x1, s20;
	v2 =	vand.u32 $0xF, v2  }
0x8f: {  	v3 =	vmov s21;
	v2 =	vbroadcast v2, $0x0  }
0x90: {  	s20 =	sor.u32 $0x2, s20;
	v3 =	vand.u32 $0xF, v3  }
0x91: {  	s31 =	sshllo.u32 s19, $0x2;
	p2 =	sne.s32 s18, $0x1;
	v4 =	vmov s20;
	v3 =	vbroadcast v3, $0x0;
	v6 =	vperm.xlane v0, v2  }
.Ltmp11:
0x92: {  	v9 =	vperm.xlane v1, v2;
	v2 =	vand.u32 $0xF, v4;
	v4 =	vmov s31;
	(pc) =	sbr.rel @!p2 .LBB2_6-.Ltmp11, $4  }
0x93: {  	s22 =	simm.s32 $0x820;
	v7 =	vperm.xlane v0, v3;
	v2 =	vbroadcast v2, $0x0;
	v4 =	vand.u32 $0xF, v4  }
0x94: {  	v13 =	vld [tilespmem:s22+$0xFFFFFFE0];
	v8 =	vperm.xlane v1, v3;
	v3 =	vbroadcast v4, $0x0  }
0x95: {  	s23 =	sadd.s32 $0xFFFFFFFF, s18;
	v4 =	vperm.xlane v0, v2;
	v5 =	vperm.xlane v1, v2  }
0x96: {  	p1 =	por $0x0, $0x0;
	s20 =	simm.s32 $0x1020;
	s21 =	simm.s32 $0x20;
	v2 =	vperm.xlane v0, v3;
	v3 =	vperm.xlane v1, v3  }
0x97: {  	_ =	sdelay $0x1  }
0x98: {  	v14 =	vld [tilespmem:s22+$0x10];
	v15 =	vadd.f32 v13, v9  }
0x99: {  	v16 =	vld [tilespmem:s21+$0xFFFFFFF0]  }
0x9a: {  	v18 =	vld [tilespmem:s22+$0xFFFFFFF0];
	v17 =	vadd.f32 v13, v8;
	(erf) = vrcp.f32 v15  }
0x9b: {  	v19 =	vld [tilespmem:s22+$0x0]  }
0x9c: {  	v15 =	vadd.f32 v13, v5;
	(erf) = vrcp.f32 v17  }
0x9d: {  	v13 =	vadd.f32 v13, v3  }
0x9e: {  	v20 =	vadd.f32 v14, v3;
	v17 =	vld [tilespmem:s21+$0xFFFFFFE0];
	vm3 =	vgt.f32 v2, v16;
	(erf) = vrcp.f32 v15  }
0x9f: {  	v22 =	vadd.f32 v18, v9;
	vm4 =	vgt.f32 v4, v16;
	(erf) = vrcp.f32 v13  }
0xa0: {  	vm5 =	vgt.f32 v7, v16;
	v23 =	vadd.f32 v19, v3;
	vm6 =	vgt.f32 v6, v16;
	v13 =	vld [tilespmem:s20+$0xFFFFFFE0]  }
0xa1: {  	v16 =	vadd.f32 v18, v8;
	v24 =	vadd.f32 v19, v5;
	(erf) = vrcp.f32 v22  }
0xa2: {  	v25 =	vadd.f32 v18, v5;
	v18 =	vadd.f32 v18, v3  }
0xa3: {  	v22 =	vadd.f32 v19, v8;
	v19 =	vadd.f32 v19, v9;
	vm7 =	vgt.f32 v2, v17;
	v26 =	vpop (erf)  }
0xa4: {  	vm9 =	vgt.f32 v6, v17;
	(erf) = vrcp.f32 v16;
	v16 =	vmul.f32 v26, v9  }
0xa5: {  	vm8 =	vgt.f32 v4, v17;
	v58 =	vnsel vm9, $0x0, v13;
	v27 =	vpop (erf);
	(erf) = vrcp.f32 v25  }
0xa6: {  	vm15 =	vgt.f32 v7, v17;
	v17 =	vmul.f32 v27, v8;
	v16 =	vmul.f32 v16, v58  }
0xa7: {  	v60 =	vnsel vm15, $0x0, v13;
	v59 =	vpop (erf);
	(erf) = vrcp.f32 v18;
	v18 =	vadd.f32 v58, v10  }
0xa8: {  	v61 =	vld [tilespmem:s20+$0xFFFFFFF0];
	v25 =	vmul.f32 v59, v5;
	v28 =	vpop (erf);
	v17 =	vmul.f32 v17, v60;
	v16 =	vadd.f32 v16, v11  }
0xa9: {  	v29 =	vnsel vm8, $0x0, v13;
	(erf) = vrcp.f32 v19;
	v28 =	vmul.f32 v28, v3  }
0xaa: {  	v19 =	vpop (erf);
	v16 =	vadd.f32 v16, v17;
	v17 =	vadd.f32 v18, v60;
	v18 =	vmul.f32 v25, v29  }
0xab: {  	v21 =	vadd.f32 v14, v5;
	v13 =	vnsel vm7, $0x0, v13;
	v19 =	vmul.f32 v19, v9  }
0xac: {  	v16 =	vadd.f32 v16, v18;
	v17 =	vadd.f32 v17, v29;
	v18 =	vmul.f32 v28, v13  }
0xad: {  	v15 =	vadd.f32 v14, v8;
	v62 =	vnsel vm6, $0x0, v61;
	(erf) = vrcp.f32 v22  }
0xae: {  	v22 =	vpop (erf);
	v16 =	vadd.f32 v16, v18;
	v13 =	vadd.f32 v17, v13;
	v17 =	vmul.f32 v19, v62  }
0xaf: {  	v12 =	vld [tilespmem:s21+$0x0];
	v14 =	vadd.f32 v14, v9;
	(erf) = vrcp.f32 v24;
	v22 =	vmul.f32 v22, v8  }
0xb0: {  	v19 =	vnsel vm5, $0x0, v61;
	v18 =	vpop (erf);
	(erf) = vrcp.f32 v23;
	v16 =	vadd.f32 v16, v17  }
0xb1: {  	v13 =	vadd.f32 v13, v62;
	v17 =	vmul.f32 v22, v19;
	v18 =	vmul.f32 v18, v5  }
0xb2: {  	v63 =	vnsel vm4, $0x0, v61;
	v22 =	vld [tilespmem:s20+$0x0];
	v23 =	vpop (erf);
	(erf) = vrcp.f32 v14  }
0xb3: {  	v14 =	vadd.f32 v16, v17;
	v13 =	vadd.f32 v13, v19;
	v16 =	vmul.f32 v18, v63  }
0xb4: {  	vm2 =	vgt.f32 v6, v12;
	v23 =	vmul.f32 v23, v3  }
0xb5: {  	v18 =	vnsel vm3, $0x0, v61;
	v17 =	vpop (erf);
	(erf) = vrcp.f32 v15;
	v13 =	vadd.f32 v13, v63  }
0xb6: {  	v15 =	vmul.f32 v23, v18;
	v17 =	vmul.f32 v17, v9;
	v14 =	vadd.f32 v14, v16  }
0xb7: {  	vm1 =	vgt.f32 v7, v12;
	v19 =	vnsel vm2, $0x0, v22;
	v13 =	vadd.f32 v13, v18;
	v16 =	vpop (erf)  }
0xb8: {  	(erf) = vrcp.f32 v21;
	v15 =	vadd.f32 v14, v15;
	v17 =	vmul.f32 v17, v19;
	v18 =	vpop (erf)  }
0xb9: {  	v16 =	vmul.f32 v16, v8;
	v13 =	vadd.f32 v13, v19;
	v18 =	vmul.f32 v18, v5  }
0xba: {  	vm0 =	vgt.f32 v4, v12;
	v21 =	vnsel vm1, $0x0, v22;
	(erf) = vrcp.f32 v20  }
0xbb: {  	v14 =	vld [tilespmem:s21+$0x10];
	v17 =	vadd.f32 v15, v17;
	v19 =	vpop (erf);
	v16 =	vmul.f32 v16, v21;
	v13 =	vadd.f32 v13, v21  }
0xbc: {  	v20 =	vnsel vm0, $0x0, v22;
	vm0 =	vgt.f32 v2, v12;
	v15 =	vld [tilespmem:s20+$0x10];
	v12 =	vmul.f32 v19, v3  }
0xbd: {  	p2 =	sne.s32 s23, $0x1;
	v19 =	vnsel vm0, $0x0, v22;
	v16 =	vadd.f32 v17, v16;
	v17 =	vmul.f32 v18, v20;
	v18 =	vpop (erf)  }
.Ltmp12:
0xbe: {  	v21 =	vmul.f32 v18, v9;
	v18 =	vadd.f32 v13, v20;
	v20 =	vmul.f32 v12, v19;
	(pc) =	sbr.rel @!p2 .LBB2_11-.Ltmp12, $4  }
0xbf: {  	s22 =	simm.s32 $0x860;
	v13 =	vpop (erf)  }
0xc0: {  	vm0 =	vgt.f32 v6, v14;
	v17 =	vadd.f32 v16, v17;
	v16 =	vmul.f32 v13, v8;
	v13 =	vld [tilespmem:s22+$0xFFFFFFE0]  }
0xc1: {  	s25 =	sadd.s32 $0xFFFFFFFF, s23;
	v12 =	vnsel vm0, $0x0, v15;
	vm0 =	vgt.f32 v7, v14  }
0xc2: {  	p1 =	por $0x1, $0x1;
	s24 =	simm.s32 $0x20;
	s23 =	simm.s32 $0x1020;
	v17 =	vadd.f32 v17, v20;
	v18 =	vadd.f32 v18, v19;
	v19 =	vmul.f32 v21, v12;
	v20 =	vpop (erf)  }
.LBB2_12:
0xc3: {  	p2 =	sne.s32 s25, $0x1;
	v21 =	vnsel vm0, $0x0, v15;
	vm0 =	vgt.f32 v4, v14;
	v20 =	vmul.f32 v20, v5  }
0xc4: {  	v17 =	vadd.f32 v17, v19;
	v18 =	vadd.f32 v18, v12;
	s24 =	sadd.s32 $0x40, s24;
	v16 =	vmul.f32 v16, v21;
	v19 =	vpop (erf)  }
0xc5: {  	v22 =	vnsel vm0, $0x0, v15;
	vm0 =	vgt.f32 v2, v14;
	v12 =	vld [tilespmem:s24+$0x0];
	v14 =	vmul.f32 v19, v3  }
0xc6: {  	v19 =	vld [tilespmem:s22+$0x10];
	v16 =	vadd.f32 v17, v16;
	v17 =	vadd.f32 v18, v21;
	v18 =	vmul.f32 v20, v22  }
0xc7: {  	v15 =	vnsel vm0, $0x0, v15;
	v20 =	vadd.f32 v13, v9  }
0xc8: {  	v14 =	vmul.f32 v14, v15;
	v21 =	vld [tilespmem:s24+$0xFFFFFFF0];
	v16 =	vadd.f32 v16, v18;
	v17 =	vadd.f32 v17, v22  }
0xc9: {  	v18 =	vadd.f32 v13, v8;
	v22 =	vadd.f32 v13, v5;
	v23 =	vld [tilespmem:s22+$0xFFFFFFF0];
	(erf) = vrcp.f32 v20  }
0xca: {  	v20 =	vld [tilespmem:s22+$0x0];
	vm0 =	vgt.f32 v4, v12;
	v14 =	vadd.f32 v16, v14;
	v15 =	vadd.f32 v17, v15  }
0xcb: {  	vm1 =	vgt.f32 v7, v12;
	v16 =	vadd.f32 v19, v3;
	(erf) = vrcp.f32 v18  }
0xcc: {  	v13 =	vadd.f32 v13, v3;
	vm2 =	vgt.f32 v6, v12;
	v17 =	vld [tilespmem:s24+$0xFFFFFFE0];
	(erf) = vrcp.f32 v22  }
0xcd: {  	v18 =	vadd.f32 v19, v8;
	v22 =	vadd.f32 v19, v5;
	vm3 =	vgt.f32 v2, v21  }
0xce: {  	s23 =	sadd.s32 $0x40, s23;
	vm4 =	vgt.f32 v4, v21;
	v24 =	vadd.f32 v23, v9;
	(erf) = vrcp.f32 v13  }
0xcf: {  	v19 =	vadd.f32 v19, v9;
	vm5 =	vgt.f32 v7, v21;
	v13 =	vld [tilespmem:s23+$0xFFFFFFE0];
	v25 =	vadd.f32 v20, v3  }
0xd0: {  	vm6 =	vgt.f32 v6, v21;
	v21 =	vadd.f32 v23, v8;
	(erf) = vrcp.f32 v24  }
0xd1: {  	v26 =	vadd.f32 v20, v5;
	v24 =	vadd.f32 v20, v8;
	vm7 =	vgt.f32 v2, v17  }
0xd2: {  	v30 =	vadd.f32 v23, v5;
	vm8 =	vgt.f32 v4, v17;
	v28 =	vpop (erf);
	(erf) = vrcp.f32 v21  }
0xd3: {  	v20 =	vadd.f32 v20, v9;
	vm9 =	vgt.f32 v6, v17;
	v21 =	vmul.f32 v28, v9  }
0xd4: {  	v31 =	vadd.f32 v23, v3;
	v28 =	vnsel vm9, $0x0, v13;
	v29 =	vpop (erf);
	(erf) = vrcp.f32 v30  }
0xd5: {  	vm9 =	vgt.f32 v7, v17;
	v21 =	vmul.f32 v21, v28;
	v17 =	vmul.f32 v29, v8;
	v27 =	vpop (erf)  }
0xd6: {  	v29 =	vnsel vm9, $0x0, v13;
	v27 =	vmul.f32 v27, v5;
	(erf) = vrcp.f32 v31  }
0xd7: {  	v15 =	vadd.f32 v28, v15;
	v14 =	vadd.f32 v21, v14;
	v17 =	vmul.f32 v17, v29;
	v21 =	vld [tilespmem:s23+$0xFFFFFFF0];
	v23 =	vpop (erf)  }
0xd8: {  	v28 =	vnsel vm8, $0x0, v13;
	v30 =	vmul.f32 v23, v3;
	(erf) = vrcp.f32 v20  }
0xd9: {  	v15 =	vadd.f32 v15, v29;
	v14 =	vadd.f32 v14, v17;
	v17 =	vmul.f32 v27, v28;
	v20 =	vpop (erf)  }
0xda: {  	v13 =	vnsel vm7, $0x0, v13;
	v20 =	vmul.f32 v20, v9;
	(erf) = vrcp.f32 v24  }
0xdb: {  	v15 =	vadd.f32 v15, v28;
	v27 =	vmul.f32 v30, v13;
	v14 =	vadd.f32 v14, v17;
	v23 =	vpop (erf)  }
0xdc: {  	v24 =	vnsel vm6, $0x0, v21;
	v23 =	vmul.f32 v23, v8;
	(erf) = vrcp.f32 v26  }
0xdd: {  	v13 =	vadd.f32 v15, v13;
	v14 =	vadd.f32 v14, v27;
	v15 =	vmul.f32 v20, v24;
	v17 =	vpop (erf)  }
0xde: {  	v20 =	vnsel vm5, $0x0, v21;
	v26 =	vmul.f32 v17, v5;
	(erf) = vrcp.f32 v25  }
0xdf: {  	v13 =	vadd.f32 v13, v24;
	v14 =	vadd.f32 v14, v15;
	v15 =	vmul.f32 v23, v20;
	v23 =	vld [tilespmem:s23+$0x0];
	v24 =	vpop (erf)  }
0xe0: {  	v25 =	vnsel vm4, $0x0, v21;
	v24 =	vmul.f32 v24, v3;
	(erf) = vrcp.f32 v19  }
0xe1: {  	v13 =	vadd.f32 v13, v20;
	v14 =	vadd.f32 v14, v15;
	v15 =	vmul.f32 v26, v25;
	v17 =	vpop (erf)  }
0xe2: {  	v19 =	vnsel vm3, $0x0, v21;
	v17 =	vmul.f32 v17, v9;
	(erf) = vrcp.f32 v18  }
0xe3: {  	v13 =	vadd.f32 v13, v25;
	v14 =	vadd.f32 v14, v15;
	v15 =	vmul.f32 v24, v19;
	v18 =	vpop (erf)  }
0xe4: {  	v20 =	vnsel vm2, $0x0, v23;
	v24 =	vmul.f32 v18, v8;
	(erf) = vrcp.f32 v22  }
0xe5: {  	v13 =	vadd.f32 v13, v19;
	v15 =	vadd.f32 v14, v15;
	v17 =	vmul.f32 v17, v20;
	v14 =	vld [tilespmem:s24+$0x10];
	v19 =	vpop (erf)  }
0xe6: {  	v21 =	vnsel vm1, $0x0, v23;
	v19 =	vmul.f32 v19, v5;
	(erf) = vrcp.f32 v16  }
0xe7: {  	v13 =	vadd.f32 v13, v20;
	v16 =	vadd.f32 v15, v17;
	v17 =	vmul.f32 v24, v21;
	v15 =	vld [tilespmem:s23+$0x10];
	v18 =	vpop (erf)  }
0xe8: {  	v20 =	vnsel vm0, $0x0, v23;
	vm0 =	vgt.f32 v2, v12;
	v12 =	vmul.f32 v18, v3  }
.Ltmp13:
0xe9: {  	v22 =	vadd.f32 v13, v21;
	v16 =	vadd.f32 v16, v17;
	v17 =	vmul.f32 v19, v20;
	v18 =	vpop (erf);
	(pc) =	sbr.rel @p2 .LBB2_12-.Ltmp13, $4  }
0xea: {  	v19 =	vnsel vm0, $0x0, v23;
	vm0 =	vgt.f32 v6, v14;
	v21 =	vmul.f32 v18, v9  }
0xeb: {  	v18 =	vadd.f32 v22, v20;
	v22 =	vmul.f32 v12, v19;
	v17 =	vadd.f32 v16, v17;
	v13 =	vpop (erf)  }
0xec: {  	s22 =	sadd.s32 $0x40, s22;
	v12 =	vnsel vm0, $0x0, v15;
	vm0 =	vgt.f32 v7, v14;
	v16 =	vmul.f32 v13, v8  }
0xed: {  	s25 =	sadd.s32 $0xFFFFFFFF, s25;
	v18 =	vadd.f32 v18, v19;
	v13 =	vld [tilespmem:s22+$0xFFFFFFE0];
	v17 =	vadd.f32 v17, v22;
	v19 =	vmul.f32 v21, v12;
	v20 =	vpop (erf)  }
.Ltmp14:
0xee: {  	_ = 	snop;
	(pc) =	sbr.rel .LBB2_13-.Ltmp14, $1  }
0xef: {  	_ =	sdelay $0x3  }
.LBB2_11:
.Ltmp15:
0xf0: {  	(pc) =	sbr.rel .LBB2_13-.Ltmp15, $2  }
0xf1: {  	_ =	sdelay $0x2  }
0xf2: {  	s24 =	simm.s32 $0x20;
	s23 =	simm.s32 $0x1020  }
.LBB2_17:
0xf3: {  	_ =	sfence.sel $0x180000  }
0xf4: {  	[bflag:$0x0] =	sbarrier.arrive $0xFFFF  }
0xf5: {  	p0 =	sne.s32 s2, $0x0;
	_ =	strace $0x90000047  }
0xf6: {  	s0 =	sadd.s32 @!p0 $0x100000, s0;
	[bflag:$0x2] =	sbarrier.arrive $0xFFFF  }
0xf7: {  	[sflag:s0] =	ssyncadd.tile.s32 @!p0 $0x1;
	_ =	shalt  }
.Lfunc_end2:
_tile_overlayer_lowered:
.L_overlay_start_2:
0xf8: {  	(tag) =	ssettag $0x2  }
0xf9: {  	s0 =	rddreg [dreg:$0x0];
	s2 =	stileid.u32  }
0xfa: {  	s1 =	rddreg [dreg:$0x1];
	p0 =	sne.s32 s2, $0x0  }
0xfb: {  	s3 =	rddreg [dreg:$0x2];
	[bflag:$0x3] =	sbarrier.arrive $0xFFFF;
	s2 =	simm.s32 @!p0 $0x1C01  }
0xfc: {  	[timem:s3], [sflag:s2] =	dma.local @!p0 [hbm:s0], s1  }
0xfd: {  	s0 =	simm.s32 @!p0 $0x1  }
0xfe: {  	_ =	swait.ge @!p0 [sflag:s0], s1  }
0xff: {  	s1 =	ssub.s32 @!p0 $0x0, s1;
	[sflag:s0] =	ssyncset.done @!p0 $0x0  }
0x100: {  	[sflag:s0] =	ssyncadd.s32 @!p0 s1  }
0x101: {  	[bflag:$0x3] =	sbarrier.arrive $0xFFFF  }
0x102: {  	_ =	shalt  }

</sc_bundles>
